<compile_context>
chip_gen: v7x
topology: tpu7x:2x2x1
jax: 0.10.2.dev20260603
libtpu: 0.0.44.dev20260713+nightly
codegen_flags: <defaults>
</compile_context>

<pallas_src>
import functools

import jax
import jax.numpy as jnp
from jax import lax
from jax.experimental import pallas as pl
from jax.experimental.pallas import tpu as pltpu
from jax.experimental.pallas import tpu_sc as plsc

N_NODES = 2048
N_EDGES = 32768
EMB = 16

NC = 1
NS = 16
NW = NC * NS
EDGES_PER_W = N_EDGES // NW
CHUNK = 128
NCHUNK = EDGES_PER_W // CHUNK
ROWS_PER_SUB = N_NODES // NS

_mesh = plsc.VectorSubcoreMesh(
    core_axis_name="c", subcore_axis_name="s", num_cores=NC, num_subcores=NS
)


@functools.partial(
    pl.kernel,
    out_type=jax.ShapeDtypeStruct((N_NODES, 128), jnp.float32),
    mesh=_mesh,
    compiler_params=pltpu.CompilerParams(
        needs_layout_passes=False, use_tc_tiling_on_sc=False
    ),
    scratch_types=[
        pltpu.VMEM((ROWS_PER_SUB,), jnp.int32),
        pltpu.VMEM((ROWS_PER_SUB, EMB), jnp.float32),
        pltpu.VMEM((NCHUNK, CHUNK), jnp.int32),
        pltpu.VMEM((NCHUNK, CHUNK), jnp.int32),
        pltpu.VMEM((EDGES_PER_W, EMB), jnp.float32),
        pltpu.VMEM_SHARED((N_NODES, EMB), jnp.float32),
        pltpu.VMEM_SHARED((N_NODES, EMB), jnp.float32),
        pltpu.SemaphoreType.DMA,
        pltpu.SemaphoreType.DMA,
        pltpu.SemaphoreType.DMA,
    ] + [pltpu.SemaphoreType.DMA] * NCHUNK,
)
def _sc_stage(nf_hbm, src_hbm, dst_hbm, table_hbm, agg_out,
              nidx_v, x_rows, src_v, dst_v, rows_v, x_sh, agg_sh,
              sem_in, sem_x, sem_sc, *sem_rows):
    c = lax.axis_index("c")
    s = lax.axis_index("s")
    wid = s * NC + c
    base_r = s * ROWS_PER_SUB
    base_e = wid * NCHUNK

    cp_nf = pltpu.async_copy(
        nf_hbm.at[pl.ds(base_r, ROWS_PER_SUB)], nidx_v, sem_in
    )
    cp_src = pltpu.async_copy(src_hbm.at[pl.ds(base_e, NCHUNK)], src_v, sem_in)
    cp_dst = pltpu.async_copy(dst_hbm.at[pl.ds(base_e, NCHUNK)], dst_v, sem_in)

    cp_nf.wait()
    pltpu.async_copy(table_hbm.at[nidx_v], x_rows, sem_x).wait()

    cp_xs = pltpu.async_copy(x_rows, x_sh.at[pl.ds(base_r, ROWS_PER_SUB)],
                             sem_x)
    pltpu.sync_copy(x_rows, agg_sh.at[pl.ds(base_r, ROWS_PER_SUB)])
    cp_xs.wait()
    cp_src.wait()
    cp_dst.wait()

    plsc.subcore_barrier()

    row_cps = [
        pltpu.async_copy(
            x_sh.at[src_v.at[j]],
            rows_v.at[pl.ds(j * CHUNK, CHUNK)],
            sem_rows[j],
        )
        for j in range(NCHUNK)
    ]
    sc_cps = []
    for j in range(NCHUNK):
        row_cps[j].wait()
        sc_cps.append(pltpu.async_copy(
            rows_v.at[pl.ds(j * CHUNK, CHUNK)],
            agg_sh.at[dst_v.at[j]],
            sem_sc,
            add=True,
        ))
    for cp in sc_cps:
        cp.wait()

    plsc.subcore_barrier()

    pltpu.sync_copy(
        agg_sh.at[pl.ds(base_r, ROWS_PER_SUB)],
        agg_out.at[pl.ds(base_r, ROWS_PER_SUB), pl.ds(0, EMB)],
    )


BLK = 512
NBLK = N_NODES // BLK


def _tc_body(agg_ref, wei_ref, bei_ref, wat_ref, bat_ref, out_ref, ei_s):
    i = pl.program_id(0)

    @pl.when(i == 0)
    def _():
        h = agg_ref[:, 0:EMB]
        ei_s[...] = lax.dot_general(
            h, wei_ref[...], (((1,), (1,)), ((), ())),
            preferred_element_type=jnp.float32,
        ) + bei_ref[...]

    @pl.when(i < NBLK)
    def _():
        ei = ei_s[...]
        ei_blk = ei_s[pl.ds(i * BLK, BLK), :]
        gram = lax.dot_general(
            ei_blk, ei, (((1,), (1,)), ((), ())),
            preferred_element_type=jnp.float32,
        )
        out_ref[...] = gram.reshape(1, BLK * N_NODES)

    @pl.when(i == NBLK)
    def _():
        h0 = agg_ref[0:1, 0:EMB]
        at0 = lax.dot_general(
            h0, wat_ref[...], (((1,), (1,)), ((), ())),
            preferred_element_type=jnp.float32,
        ) + bat_ref[...]
        at = jnp.mean(at0, axis=-1, keepdims=True)
        out_ref[...] = jnp.broadcast_to(at, (1, BLK * N_NODES))


def _tc_stage(agg, W_ei, b_ei, W_at, b_at):
    return pl.pallas_call(
        _tc_body,
        grid=(NBLK + 1,),
        in_specs=[
            pl.BlockSpec((N_NODES, 128), lambda i: (0, 0)),
            pl.BlockSpec((EMB, EMB), lambda i: (0, 0)),
            pl.BlockSpec((1, EMB), lambda i: (0, 0)),
            pl.BlockSpec((EMB, EMB), lambda i: (0, 0)),
            pl.BlockSpec((1, EMB), lambda i: (0, 0)),
        ],
        out_specs=pl.BlockSpec((1, BLK * N_NODES), lambda i: (0, i)),
        out_shape=jax.ShapeDtypeStruct((1, N_NODES * N_NODES + 1),
                                       jnp.float32),
        scratch_shapes=[pltpu.VMEM((N_NODES, EMB), jnp.float32)],
    )(agg, W_ei, b_ei, W_at, b_at)


def kernel(node_feature, batch_ptr, edge_index, node_index, batch_shape,
           emb_table, W_at, b_at, W_ei, b_ei):
    src = edge_index[:, 0].reshape(NW * NCHUNK, CHUNK)
    dst = edge_index[:, 1].reshape(NW * NCHUNK, CHUNK)
    agg = _sc_stage(node_feature, src, dst, emb_table)
    return _tc_stage(
        agg, W_ei, b_ei.reshape(1, EMB), W_at, b_at.reshape(1, EMB)
    )

# --- scband reference (transcript-rebuilt; emitter-appended) ---
"""Pipeline reference for scband-ring-policy-estimator-53601191854589 (READ-ONLY COPY).

The authoritative reference and input builder live on the scoring server;
editing this copy changes nothing except your own understanding.
"""

import jax, jax.numpy as jnp
import numpy as np

N_NODES = 2048
N_EDGES = 32768
EMB = 16


def setup_inputs(seed: int = 0) -> dict:
    key = jax.random.key(seed)
    k1, k2, k3, k4, k5, k6, k7 = jax.random.split(key, 7)
    node_feature = jax.random.randint(k1, (N_NODES,), 0, N_NODES, dtype=jnp.int32)
    batch_ptr = jnp.arange(2, dtype=jnp.int32)
    edge_index = jax.random.randint(k2, (N_EDGES, 2), 0, N_NODES, dtype=jnp.int32)
    node_index = jnp.arange(N_NODES, dtype=jnp.int32)
    batch_shape = jnp.ones((1,), dtype=jnp.int32)
    emb_table = jax.random.normal(k3, (N_NODES, EMB), dtype=jnp.float32)
    lim = 1.0 / np.sqrt(EMB)
    W_at = jax.random.uniform(k4, (EMB, EMB), minval=-lim, maxval=lim, dtype=jnp.float32)
    b_at = jax.random.uniform(k5, (EMB,), minval=-lim, maxval=lim, dtype=jnp.float32)
    W_ei = jax.random.uniform(k6, (EMB, EMB), minval=-lim, maxval=lim, dtype=jnp.float32)
    b_ei = jax.random.uniform(k7, (EMB,), minval=-lim, maxval=lim, dtype=jnp.float32)
    return {"node_feature": node_feature, "batch_ptr": batch_ptr, "edge_index": edge_index,
            "node_index": node_index, "batch_shape": batch_shape, "emb_table": emb_table,
            "W_at": W_at, "b_at": b_at, "W_ei": W_ei, "b_ei": b_ei}


def _gin(x, src, dst, W, b):
    # PyG GINConv(nn.Linear(d,d)), eps=0: linear(x + sum_{j->i} x_j)
    agg = jax.ops.segment_sum(x[src], dst, num_segments=x.shape[0])
    return (x + agg) @ W.T + b


def _group_mean(t, batch_ptr):
    cumsum = jnp.concatenate([jnp.zeros((1,) + t.shape[1:], t.dtype), jnp.cumsum(t, axis=0)], axis=0)
    size = (batch_ptr[1:] - batch_ptr[:-1]).astype(t.dtype)
    return (cumsum[batch_ptr[1:]] - cumsum[batch_ptr[:-1]]) / size[:, None]


def reference(node_feature, batch_ptr, edge_index, node_index, batch_shape, emb_table, W_at, b_at, W_ei, b_ei):
    x = emb_table[node_feature]
    # torch.where(edge_index[...,None] == node_index)[2].reshape(edge_index.shape):
    # each raw edge id matches exactly one position in node_index (node_index=arange),
    # so row-major nonzero positions == argmax over the last axis.
    eq = edge_index[..., None] == node_index[None, None, :]
    mapped = jnp.argmax(eq, axis=-1)
    src = mapped[:, 0]
    dst = mapped[:, 1]
    at = _gin(x, src, dst, W_at, b_at)
    action_type = _group_mean(jnp.mean(at, axis=-1, keepdims=True), batch_ptr)
    ei = _gin(x, src, dst, W_ei, b_ei)
    B = batch_shape.shape[0]
    ei = ei.reshape(B, N_NODES, EMB)
    edge_actions = jnp.einsum('bnf,bmf->bnm', ei, ei).reshape(B, N_NODES * N_NODES)
    return jnp.concatenate([edge_actions, action_type], axis=-1)

if __name__ == "__main__":
    import jax
    _d = setup_inputs()
    print(jax.jit(kernel)(*tuple(_d.values())))

</pallas_src>

<mosaic_0001>
#map = affine_map<(d0, d1) -> (0)>
#map1 = affine_map<(d0, d1) -> (0, 0)>
module attributes {stable_mosaic.version = 14 : i64} {
  func.func @_sc_stage(%arg0: i32, %arg1: i32, %arg2: memref<2048xi32, #tpu.memory_space<hbm>>, %arg3: memref<256x128xi32, #tpu.memory_space<hbm>>, %arg4: memref<256x128xi32, #tpu.memory_space<hbm>>, %arg5: memref<2048x16xf32, #tpu.memory_space<hbm>>, %arg6: memref<2048x128xf32, #tpu.memory_space<hbm>>, %arg7: memref<128xi32, #tpu.memory_space<vmem>>, %arg8: memref<128x16xf32, #tpu.memory_space<vmem>>, %arg9: memref<16x128xi32, #tpu.memory_space<vmem>>, %arg10: memref<16x128xi32, #tpu.memory_space<vmem>>, %arg11: memref<2048x16xf32, #tpu.memory_space<vmem>>, %arg12: memref<2048x16xf32, #tpu.memory_space<vmem_shared>>, %arg13: memref<2048x16xf32, #tpu.memory_space<vmem_shared>>, %arg14: memref<!tpu.dma_semaphore, #tpu.memory_space<semaphore_mem>>, %arg15: memref<!tpu.dma_semaphore, #tpu.memory_space<semaphore_mem>>, %arg16: memref<!tpu.dma_semaphore, #tpu.memory_space<semaphore_mem>>, %arg17: memref<!tpu.dma_semaphore, #tpu.memory_space<semaphore_mem>>, %arg18: memref<!tpu.dma_semaphore, #tpu.memory_space<semaphore_mem>>, %arg19: memref<!tpu.dma_semaphore, #tpu.memory_space<semaphore_mem>>, %arg20: memref<!tpu.dma_semaphore, #tpu.memory_space<semaphore_mem>>, %arg21: memref<!tpu.dma_semaphore, #tpu.memory_space<semaphore_mem>>, %arg22: memref<!tpu.dma_semaphore, #tpu.memory_space<semaphore_mem>>, %arg23: memref<!tpu.dma_semaphore, #tpu.memory_space<semaphore_mem>>, %arg24: memref<!tpu.dma_semaphore, #tpu.memory_space<semaphore_mem>>, %arg25: memref<!tpu.dma_semaphore, #tpu.memory_space<semaphore_mem>>, %arg26: memref<!tpu.dma_semaphore, #tpu.memory_space<semaphore_mem>>, %arg27: memref<!tpu.dma_semaphore, #tpu.memory_space<semaphore_mem>>, %arg28: memref<!tpu.dma_semaphore, #tpu.memory_space<semaphore_mem>>, %arg29: memref<!tpu.dma_semaphore, #tpu.memory_space<semaphore_mem>>, %arg30: memref<!tpu.dma_semaphore, #tpu.memory_space<semaphore_mem>>, %arg31: memref<!tpu.dma_semaphore, #tpu.memory_space<semaphore_mem>>, %arg32: memref<!tpu.dma_semaphore, #tpu.memory_space<semaphore_mem>>) attributes {dimension_semantics = [#tpu.dimension_semantics<core_parallel>, #tpu.dimension_semantics<subcore_parallel>], iteration_bounds = array<i64: 1, 16>, scalar_prefetch = 0 : i64, scratch_operands = 26 : i64, tpu.core_type = #tpu.core_type<sc_vector_subcore>, window_params = [{transform_indices = #map}, {transform_indices = #map1}, {transform_indices = #map1}, {transform_indices = #map1}, {transform_indices = #map1}]} {
    %mul3A = arith.constant 1 : i32
    %mul3A_0 = arith.muli %arg1, %mul3A : i32
    %add3A = arith.addi %mul3A_0, %arg0 : i32
    %mul3A_1 = arith.constant 128 : i32
    %mul3A_2 = arith.muli %arg1, %mul3A_1 : i32
    %mul3A_3 = arith.constant 16 : i32
    %mul3A_4 = arith.muli %add3A, %mul3A_3 : i32
    %dma_start3A = tpu.memref_slice %arg2[%mul3A_2] : memref<2048xi32, #tpu.memory_space<hbm>> -> memref<128xi32, #tpu.memory_space<hbm>>
    %dma_start3A_5 = tpu.memref_slice %arg2[%mul3A_2] : memref<2048xi32, #tpu.memory_space<hbm>> -> memref<128xi32, #tpu.memory_space<hbm>>
    tpu.enqueue_dma source(%dma_start3A_5 : memref<128xi32, #tpu.memory_space<hbm>>) target(%arg7 : memref<128xi32, #tpu.memory_space<vmem>>) target_semaphore(%arg14 : memref<!tpu.dma_semaphore, #tpu.memory_space<semaphore_mem>>)
    %dma_start3A_6 = arith.constant 0 : i32
    %dma_start3A_7 = tpu.memref_slice %arg3[%mul3A_4, %dma_start3A_6] : memref<256x128xi32, #tpu.memory_space<hbm>> -> memref<16x128xi32, #tpu.memory_space<hbm>>
    %dma_start3A_8 = arith.constant 0 : i32
    %dma_start3A_9 = tpu.memref_slice %arg3[%mul3A_4, %dma_start3A_8] : memref<256x128xi32, #tpu.memory_space<hbm>> -> memref<16x128xi32, #tpu.memory_space<hbm>>
    tpu.enqueue_dma source(%dma_start3A_9 : memref<16x128xi32, #tpu.memory_space<hbm>>) target(%arg9 : memref<16x128xi32, #tpu.memory_space<vmem>>) target_semaphore(%arg14 : memref<!tpu.dma_semaphore, #tpu.memory_space<semaphore_mem>>)
    %dma_start3A_10 = arith.constant 0 : i32
    %dma_start3A_11 = tpu.memref_slice %arg4[%mul3A_4, %dma_start3A_10] : memref<256x128xi32, #tpu.memory_space<hbm>> -> memref<16x128xi32, #tpu.memory_space<hbm>>
    %dma_start3A_12 = arith.constant 0 : i32
    %dma_start3A_13 = tpu.memref_slice %arg4[%mul3A_4, %dma_start3A_12] : memref<256x128xi32, #tpu.memory_space<hbm>> -> memref<16x128xi32, #tpu.memory_space<hbm>>
    tpu.enqueue_dma source(%dma_start3A_13 : memref<16x128xi32, #tpu.memory_space<hbm>>) target(%arg10 : memref<16x128xi32, #tpu.memory_space<vmem>>) target_semaphore(%arg14 : memref<!tpu.dma_semaphore, #tpu.memory_space<semaphore_mem>>)
    %dma_wait3A = tpu.memref_slice %arg2[%mul3A_2] : memref<2048xi32, #tpu.memory_space<hbm>> -> memref<128xi32, #tpu.memory_space<hbm>>
    %dma_wait3A_14 = tpu.memref_slice %arg2[%mul3A_2] : memref<2048xi32, #tpu.memory_space<hbm>> -> memref<128xi32, #tpu.memory_space<hbm>>
    tpu.wait_dma2 semaphore(%arg14 : memref<!tpu.dma_semaphore, #tpu.memory_space<semaphore_mem>>) src(%dma_wait3A_14 : memref<128xi32, #tpu.memory_space<hbm>>) dst(%arg7 : memref<128xi32, #tpu.memory_space<vmem>>)
    %dma_start3A_15 = arith.constant 0 : i32
    %dma_start3A_16 = arith.constant 0 : i32
    %dma_start3A_17 = tpu.memref_slice %arg5[%dma_start3A_15, %dma_start3A_16] : memref<2048x16xf32, #tpu.memory_space<hbm>> -> memref<2048x16xf32, #tpu.memory_space<hbm>>
    tpu.enqueue_indirect_dma source(%dma_start3A_17 : memref<2048x16xf32, #tpu.memory_space<hbm>>) target(%arg8 : memref<128x16xf32, #tpu.memory_space<vmem>>) offsets(%arg7 : memref<128xi32, #tpu.memory_space<vmem>>) semaphore(%arg15 : memref<!tpu.dma_semaphore, #tpu.memory_space<semaphore_mem>>)
    %dma_wait3A_18 = arith.constant 0 : i32
    %dma_wait3A_19 = arith.constant 0 : i32
    %dma_wait3A_20 = tpu.memref_slice %arg5[%dma_wait3A_18, %dma_wait3A_19] : memref<2048x16xf32, #tpu.memory_space<hbm>> -> memref<2048x16xf32, #tpu.memory_space<hbm>>
    tpu.wait_indirect_dma semaphore(%arg15 : memref<!tpu.dma_semaphore, #tpu.memory_space<semaphore_mem>>) src(%dma_wait3A_20 : memref<2048x16xf32, #tpu.memory_space<hbm>>) dst(%arg8 : memref<128x16xf32, #tpu.memory_space<vmem>>)
    %dma_start3A_21 = arith.constant 0 : i32
    %dma_start3A_22 = tpu.memref_slice %arg12[%mul3A_2, %dma_start3A_21] : memref<2048x16xf32, #tpu.memory_space<vmem_shared>> -> memref<128x16xf32, #tpu.memory_space<vmem_shared>>
    %dma_start3A_23 = arith.constant 0 : i32
    %dma_start3A_24 = tpu.memref_slice %arg12[%mul3A_2, %dma_start3A_23] : memref<2048x16xf32, #tpu.memory_space<vmem_shared>> -> memref<128x16xf32, #tpu.memory_space<vmem_shared>>
    tpu.enqueue_dma source(%arg8 : memref<128x16xf32, #tpu.memory_space<vmem>>) target(%dma_start3A_24 : memref<128x16xf32, #tpu.memory_space<vmem_shared>>) target_semaphore(%arg15 : memref<!tpu.dma_semaphore, #tpu.memory_space<semaphore_mem>>)
    "tpu.region"() ({
      %run_scoped3A = tpu.sem_alloc : memref<!tpu.dma_semaphore, #tpu.memory_space<semaphore_mem>>
      %dma_start3A_678 = arith.constant 0 : i32
      %dma_start3A_679 = tpu.memref_slice %arg13[%mul3A_2, %dma_start3A_678] : memref<2048x16xf32, #tpu.memory_space<vmem_shared>> -> memref<128x16xf32, #tpu.memory_space<vmem_shared>>
      %dma_start3A_680 = arith.constant 0 : i32
      %dma_start3A_681 = tpu.memref_slice %arg13[%mul3A_2, %dma_start3A_680] : memref<2048x16xf32, #tpu.memory_space<vmem_shared>> -> memref<128x16xf32, #tpu.memory_space<vmem_shared>>
      tpu.enqueue_dma source(%arg8 : memref<128x16xf32, #tpu.memory_space<vmem>>) target(%dma_start3A_681 : memref<128x16xf32, #tpu.memory_space<vmem_shared>>) target_semaphore(%run_scoped3A : memref<!tpu.dma_semaphore, #tpu.memory_space<semaphore_mem>>)
      %dma_wait3A_682 = arith.constant 0 : i32
      %dma_wait3A_683 = tpu.memref_slice %arg13[%mul3A_2, %dma_wait3A_682] : memref<2048x16xf32, #tpu.memory_space<vmem_shared>> -> memref<128x16xf32, #tpu.memory_space<vmem_shared>>
      %dma_wait3A_684 = arith.constant 0 : i32
      %dma_wait3A_685 = tpu.memref_slice %arg13[%mul3A_2, %dma_wait3A_684] : memref<2048x16xf32, #tpu.memory_space<vmem_shared>> -> memref<128x16xf32, #tpu.memory_space<vmem_shared>>
      tpu.wait_dma2 semaphore(%run_scoped3A : memref<!tpu.dma_semaphore, #tpu.memory_space<semaphore_mem>>) src(%arg8 : memref<128x16xf32, #tpu.memory_space<vmem>>) dst(%dma_wait3A_685 : memref<128x16xf32, #tpu.memory_space<vmem_shared>>)
      tpu.yield
    }) : () -> ()
    %dma_wait3A_25 = arith.constant 0 : i32
    %dma_wait3A_26 = tpu.memref_slice %arg12[%mul3A_2, %dma_wait3A_25] : memref<2048x16xf32, #tpu.memory_space<vmem_shared>> -> memref<128x16xf32, #tpu.memory_space<vmem_shared>>
    %dma_wait3A_27 = arith.constant 0 : i32
    %dma_wait3A_28 = tpu.memref_slice %arg12[%mul3A_2, %dma_wait3A_27] : memref<2048x16xf32, #tpu.memory_space<vmem_shared>> -> memref<128x16xf32, #tpu.memory_space<vmem_shared>>
    tpu.wait_dma2 semaphore(%arg15 : memref<!tpu.dma_semaphore, #tpu.memory_space<semaphore_mem>>) src(%arg8 : memref<128x16xf32, #tpu.memory_space<vmem>>) dst(%dma_wait3A_28 : memref<128x16xf32, #tpu.memory_space<vmem_shared>>)
    %dma_wait3A_29 = arith.constant 0 : i32
    %dma_wait3A_30 = tpu.memref_slice %arg3[%mul3A_4, %dma_wait3A_29] : memref<256x128xi32, #tpu.memory_space<hbm>> -> memref<16x128xi32, #tpu.memory_space<hbm>>
    %dma_wait3A_31 = arith.constant 0 : i32
    %dma_wait3A_32 = tpu.memref_slice %arg3[%mul3A_4, %dma_wait3A_31] : memref<256x128xi32, #tpu.memory_space<hbm>> -> memref<16x128xi32, #tpu.memory_space<hbm>>
    tpu.wait_dma2 semaphore(%arg14 : memref<!tpu.dma_semaphore, #tpu.memory_space<semaphore_mem>>) src(%dma_wait3A_32 : memref<16x128xi32, #tpu.memory_space<hbm>>) dst(%arg9 : memref<16x128xi32, #tpu.memory_space<vmem>>)
    %dma_wait3A_33 = arith.constant 0 : i32
    %dma_wait3A_34 = tpu.memref_slice %arg4[%mul3A_4, %dma_wait3A_33] : memref<256x128xi32, #tpu.memory_space<hbm>> -> memref<16x128xi32, #tpu.memory_space<hbm>>
    %dma_wait3A_35 = arith.constant 0 : i32
    %dma_wait3A_36 = tpu.memref_slice %arg4[%mul3A_4, %dma_wait3A_35] : memref<256x128xi32, #tpu.memory_space<hbm>> -> memref<16x128xi32, #tpu.memory_space<hbm>>
    tpu.wait_dma2 semaphore(%arg14 : memref<!tpu.dma_semaphore, #tpu.memory_space<semaphore_mem>>) src(%dma_wait3A_36 : memref<16x128xi32, #tpu.memory_space<hbm>>) dst(%arg10 : memref<16x128xi32, #tpu.memory_space<vmem>>)
    %barrier3A = arith.constant 0 : index
    tpu.barrier barrier_id(%barrier3A)
    %dma_start3A_37 = arith.constant 0 : i32
    %dma_start3A_38 = arith.constant 0 : i32
    %dma_start3A_39 = arith.constant 0 : i32
    %dma_start3A_40 = tpu.memref_slice %arg11[%dma_start3A_38, %dma_start3A_39] : memref<2048x16xf32, #tpu.memory_space<vmem>> -> memref<128x16xf32, #tpu.memory_space<vmem>>
    %dma_start3A_41 = arith.constant 0 : i32
    %dma_start3A_42 = tpu.memref_slice %arg9[%dma_start3A_37, %dma_start3A_41] : memref<16x128xi32, #tpu.memory_space<vmem>> -> memref<1x128xi32, #tpu.memory_space<vmem>>
    %dma_start3A_43 = tpu.memref_squeeze %dma_start3A_42 : memref<1x128xi32, #tpu.memory_space<vmem>> -> memref<128xi32, #tpu.memory_space<vmem>>
    %dma_start3A_44 = arith.constant 0 : i32
    %dma_start3A_45 = arith.constant 0 : i32
    %dma_start3A_46 = tpu.memref_slice %arg12[%dma_start3A_44, %dma_start3A_45] : memref<2048x16xf32, #tpu.memory_space<vmem_shared>> -> memref<2048x16xf32, #tpu.memory_space<vmem_shared>>
    tpu.enqueue_indirect_dma source(%dma_start3A_46 : memref<2048x16xf32, #tpu.memory_space<vmem_shared>>) target(%dma_start3A_40 : memref<128x16xf32, #tpu.memory_space<vmem>>) offsets(%dma_start3A_43 : memref<128xi32, #tpu.memory_space<vmem>>) semaphore(%arg17 : memref<!tpu.dma_semaphore, #tpu.memory_space<semaphore_mem>>)
    %dma_start3A_47 = arith.constant 1 : i32
    %dma_start3A_48 = arith.constant 128 : i32
    %dma_start3A_49 = arith.constant 0 : i32
    %dma_start3A_50 = tpu.memref_slice %arg11[%dma_start3A_48, %dma_start3A_49] : memref<2048x16xf32, #tpu.memory_space<vmem>> -> memref<128x16xf32, #tpu.memory_space<vmem>>
    %dma_start3A_51 = arith.constant 0 : i32
    %dma_start3A_52 = tpu.memref_slice %arg9[%dma_start3A_47, %dma_start3A_51] : memref<16x128xi32, #tpu.memory_space<vmem>> -> memref<1x128xi32, #tpu.memory_space<vmem>>
    %dma_start3A_53 = tpu.memref_squeeze %dma_start3A_52 : memref<1x128xi32, #tpu.memory_space<vmem>> -> memref<128xi32, #tpu.memory_space<vmem>>
    %dma_start3A_54 = arith.constant 0 : i32
    %dma_start3A_55 = arith.constant 0 : i32
    %dma_start3A_56 = tpu.memref_slice %arg12[%dma_start3A_54, %dma_start3A_55] : memref<2048x16xf32, #tpu.memory_space<vmem_shared>> -> memref<2048x16xf32, #tpu.memory_space<vmem_shared>>
    tpu.enqueue_indirect_dma source(%dma_start3A_56 : memref<2048x16xf32, #tpu.memory_space<vmem_shared>>) target(%dma_start3A_50 : memref<128x16xf32, #tpu.memory_space<vmem>>) offsets(%dma_start3A_53 : memref<128xi32, #tpu.memory_space<vmem>>) semaphore(%arg18 : memref<!tpu.dma_semaphore, #tpu.memory_space<semaphore_mem>>)
    %dma_start3A_57 = arith.constant 2 : i32
    %dma_start3A_58 = arith.constant 256 : i32
    %dma_start3A_59 = arith.constant 0 : i32
    %dma_start3A_60 = tpu.memref_slice %arg11[%dma_start3A_58, %dma_start3A_59] : memref<2048x16xf32, #tpu.memory_space<vmem>> -> memref<128x16xf32, #tpu.memory_space<vmem>>
    %dma_start3A_61 = arith.constant 0 : i32
    %dma_start3A_62 = tpu.memref_slice %arg9[%dma_start3A_57, %dma_start3A_61] : memref<16x128xi32, #tpu.memory_space<vmem>> -> memref<1x128xi32, #tpu.memory_space<vmem>>
    %dma_start3A_63 = tpu.memref_squeeze %dma_start3A_62 : memref<1x128xi32, #tpu.memory_space<vmem>> -> memref<128xi32, #tpu.memory_space<vmem>>
    %dma_start3A_64 = arith.constant 0 : i32
    %dma_start3A_65 = arith.constant 0 : i32
    %dma_start3A_66 = tpu.memref_slice %arg12[%dma_start3A_64, %dma_start3A_65] : memref<2048x16xf32, #tpu.memory_space<vmem_shared>> -> memref<2048x16xf32, #tpu.memory_space<vmem_shared>>
    tpu.enqueue_indirect_dma source(%dma_start3A_66 : memref<2048x16xf32, #tpu.memory_space<vmem_shared>>) target(%dma_start3A_60 : memref<128x16xf32, #tpu.memory_space<vmem>>) offsets(%dma_start3A_63 : memref<128xi32, #tpu.memory_space<vmem>>) semaphore(%arg19 : memref<!tpu.dma_semaphore, #tpu.memory_space<semaphore_mem>>)
    %dma_start3A_67 = arith.constant 3 : i32
    %dma_start3A_68 = arith.constant 384 : i32
    %dma_start3A_69 = arith.constant 0 : i32
    %dma_start3A_70 = tpu.memref_slice %arg11[%dma_start3A_68, %dma_start3A_69] : memref<2048x16xf32, #tpu.memory_space<vmem>> -> memref<128x16xf32, #tpu.memory_space<vmem>>
    %dma_start3A_71 = arith.constant 0 : i32
    %dma_start3A_72 = tpu.memref_slice %arg9[%dma_start3A_67, %dma_start3A_71] : memref<16x128xi32, #tpu.memory_space<vmem>> -> memref<1x128xi32, #tpu.memory_space<vmem>>
    %dma_start3A_73 = tpu.memref_squeeze %dma_start3A_72 : memref<1x128xi32, #tpu.memory_space<vmem>> -> memref<128xi32, #tpu.memory_space<vmem>>
    %dma_start3A_74 = arith.constant 0 : i32
    %dma_start3A_75 = arith.constant 0 : i32
    %dma_start3A_76 = tpu.memref_slice %arg12[%dma_start3A_74, %dma_start3A_75] : memref<2048x16xf32, #tpu.memory_space<vmem_shared>> -> memref<2048x16xf32, #tpu.memory_space<vmem_shared>>
    tpu.enqueue_indirect_dma source(%dma_start3A_76 : memref<2048x16xf32, #tpu.memory_space<vmem_shared>>) target(%dma_start3A_70 : memref<128x16xf32, #tpu.memory_space<vmem>>) offsets(%dma_start3A_73 : memref<128xi32, #tpu.memory_space<vmem>>) semaphore(%arg20 : memref<!tpu.dma_semaphore, #tpu.memory_space<semaphore_mem>>)
    %dma_start3A_77 = arith.constant 4 : i32
    %dma_start3A_78 = arith.constant 512 : i32
    %dma_start3A_79 = arith.constant 0 : i32
    %dma_start3A_80 = tpu.memref_slice %arg11[%dma_start3A_78, %dma_start3A_79] : memref<2048x16xf32, #tpu.memory_space<vmem>> -> memref<128x16xf32, #tpu.memory_space<vmem>>
    %dma_start3A_81 = arith.constant 0 : i32
    %dma_start3A_82 = tpu.memref_slice %arg9[%dma_start3A_77, %dma_start3A_81] : memref<16x128xi32, #tpu.memory_space<vmem>> -> memref<1x128xi32, #tpu.memory_space<vmem>>
    %dma_start3A_83 = tpu.memref_squeeze %dma_start3A_82 : memref<1x128xi32, #tpu.memory_space<vmem>> -> memref<128xi32, #tpu.memory_space<vmem>>
    %dma_start3A_84 = arith.constant 0 : i32
    %dma_start3A_85 = arith.constant 0 : i32
    %dma_start3A_86 = tpu.memref_slice %arg12[%dma_start3A_84, %dma_start3A_85] : memref<2048x16xf32, #tpu.memory_space<vmem_shared>> -> memref<2048x16xf32, #tpu.memory_space<vmem_shared>>
    tpu.enqueue_indirect_dma source(%dma_start3A_86 : memref<2048x16xf32, #tpu.memory_space<vmem_shared>>) target(%dma_start3A_80 : memref<128x16xf32, #tpu.memory_space<vmem>>) offsets(%dma_start3A_83 : memref<128xi32, #tpu.memory_space<vmem>>) semaphore(%arg21 : memref<!tpu.dma_semaphore, #tpu.memory_space<semaphore_mem>>)
    %dma_start3A_87 = arith.constant 5 : i32
    %dma_start3A_88 = arith.constant 640 : i32
    %dma_start3A_89 = arith.constant 0 : i32
    %dma_start3A_90 = tpu.memref_slice %arg11[%dma_start3A_88, %dma_start3A_89] : memref<2048x16xf32, #tpu.memory_space<vmem>> -> memref<128x16xf32, #tpu.memory_space<vmem>>
    %dma_start3A_91 = arith.constant 0 : i32
    %dma_start3A_92 = tpu.memref_slice %arg9[%dma_start3A_87, %dma_start3A_91] : memref<16x128xi32, #tpu.memory_space<vmem>> -> memref<1x128xi32, #tpu.memory_space<vmem>>
    %dma_start3A_93 = tpu.memref_squeeze %dma_start3A_92 : memref<1x128xi32, #tpu.memory_space<vmem>> -> memref<128xi32, #tpu.memory_space<vmem>>
    %dma_start3A_94 = arith.constant 0 : i32
    %dma_start3A_95 = arith.constant 0 : i32
    %dma_start3A_96 = tpu.memref_slice %arg12[%dma_start3A_94, %dma_start3A_95] : memref<2048x16xf32, #tpu.memory_space<vmem_shared>> -> memref<2048x16xf32, #tpu.memory_space<vmem_shared>>
    tpu.enqueue_indirect_dma source(%dma_start3A_96 : memref<2048x16xf32, #tpu.memory_space<vmem_shared>>) target(%dma_start3A_90 : memref<128x16xf32, #tpu.memory_space<vmem>>) offsets(%dma_start3A_93 : memref<128xi32, #tpu.memory_space<vmem>>) semaphore(%arg22 : memref<!tpu.dma_semaphore, #tpu.memory_space<semaphore_mem>>)
    %dma_start3A_97 = arith.constant 6 : i32
    %dma_start3A_98 = arith.constant 768 : i32
    %dma_start3A_99 = arith.constant 0 : i32
    %dma_start3A_100 = tpu.memref_slice %arg11[%dma_start3A_98, %dma_start3A_99] : memref<2048x16xf32, #tpu.memory_space<vmem>> -> memref<128x16xf32, #tpu.memory_space<vmem>>
    %dma_start3A_101 = arith.constant 0 : i32
    %dma_start3A_102 = tpu.memref_slice %arg9[%dma_start3A_97, %dma_start3A_101] : memref<16x128xi32, #tpu.memory_space<vmem>> -> memref<1x128xi32, #tpu.memory_space<vmem>>
    %dma_start3A_103 = tpu.memref_squeeze %dma_start3A_102 : memref<1x128xi32, #tpu.memory_space<vmem>> -> memref<128xi32, #tpu.memory_space<vmem>>
    %dma_start3A_104 = arith.constant 0 : i32
    %dma_start3A_105 = arith.constant 0 : i32
    %dma_start3A_106 = tpu.memref_slice %arg12[%dma_start3A_104, %dma_start3A_105] : memref<2048x16xf32, #tpu.memory_space<vmem_shared>> -> memref<2048x16xf32, #tpu.memory_space<vmem_shared>>
    tpu.enqueue_indirect_dma source(%dma_start3A_106 : memref<2048x16xf32, #tpu.memory_space<vmem_shared>>) target(%dma_start3A_100 : memref<128x16xf32, #tpu.memory_space<vmem>>) offsets(%dma_start3A_103 : memref<128xi32, #tpu.memory_space<vmem>>) semaphore(%arg23 : memref<!tpu.dma_semaphore, #tpu.memory_space<semaphore_mem>>)
    %dma_start3A_107 = arith.constant 7 : i32
    %dma_start3A_108 = arith.constant 896 : i32
    %dma_start3A_109 = arith.constant 0 : i32
    %dma_start3A_110 = tpu.memref_slice %arg11[%dma_start3A_108, %dma_start3A_109] : memref<2048x16xf32, #tpu.memory_space<vmem>> -> memref<128x16xf32, #tpu.memory_space<vmem>>
    %dma_start3A_111 = arith.constant 0 : i32
    %dma_start3A_112 = tpu.memref_slice %arg9[%dma_start3A_107, %dma_start3A_111] : memref<16x128xi32, #tpu.memory_space<vmem>> -> memref<1x128xi32, #tpu.memory_space<vmem>>
    %dma_start3A_113 = tpu.memref_squeeze %dma_start3A_112 : memref<1x128xi32, #tpu.memory_space<vmem>> -> memref<128xi32, #tpu.memory_space<vmem>>
    %dma_start3A_114 = arith.constant 0 : i32
    %dma_start3A_115 = arith.constant 0 : i32
    %dma_start3A_116 = tpu.memref_slice %arg12[%dma_start3A_114, %dma_start3A_115] : memref<2048x16xf32, #tpu.memory_space<vmem_shared>> -> memref<2048x16xf32, #tpu.memory_space<vmem_shared>>
    tpu.enqueue_indirect_dma source(%dma_start3A_116 : memref<2048x16xf32, #tpu.memory_space<vmem_shared>>) target(%dma_start3A_110 : memref<128x16xf32, #tpu.memory_space<vmem>>) offsets(%dma_start3A_113 : memref<128xi32, #tpu.memory_space<vmem>>) semaphore(%arg24 : memref<!tpu.dma_semaphore, #tpu.memory_space<semaphore_mem>>)
    %dma_start3A_117 = arith.constant 8 : i32
    %dma_start3A_118 = arith.constant 1024 : i32
    %dma_start3A_119 = arith.constant 0 : i32
    %dma_start3A_120 = tpu.memref_slice %arg11[%dma_start3A_118, %dma_start3A_119] : memref<2048x16xf32, #tpu.memory_space<vmem>> -> memref<128x16xf32, #tpu.memory_space<vmem>>
    %dma_start3A_121 = arith.constant 0 : i32
    %dma_start3A_122 = tpu.memref_slice %arg9[%dma_start3A_117, %dma_start3A_121] : memref<16x128xi32, #tpu.memory_space<vmem>> -> memref<1x128xi32, #tpu.memory_space<vmem>>
    %dma_start3A_123 = tpu.memref_squeeze %dma_start3A_122 : memref<1x128xi32, #tpu.memory_space<vmem>> -> memref<128xi32, #tpu.memory_space<vmem>>
    %dma_start3A_124 = arith.constant 0 : i32
    %dma_start3A_125 = arith.constant 0 : i32
    %dma_start3A_126 = tpu.memref_slice %arg12[%dma_start3A_124, %dma_start3A_125] : memref<2048x16xf32, #tpu.memory_space<vmem_shared>> -> memref<2048x16xf32, #tpu.memory_space<vmem_shared>>
    tpu.enqueue_indirect_dma source(%dma_start3A_126 : memref<2048x16xf32, #tpu.memory_space<vmem_shared>>) target(%dma_start3A_120 : memref<128x16xf32, #tpu.memory_space<vmem>>) offsets(%dma_start3A_123 : memref<128xi32, #tpu.memory_space<vmem>>) semaphore(%arg25 : memref<!tpu.dma_semaphore, #tpu.memory_space<semaphore_mem>>)
    %dma_start3A_127 = arith.constant 9 : i32
    %dma_start3A_128 = arith.constant 1152 : i32
    %dma_start3A_129 = arith.constant 0 : i32
    %dma_start3A_130 = tpu.memref_slice %arg11[%dma_start3A_128, %dma_start3A_129] : memref<2048x16xf32, #tpu.memory_space<vmem>> -> memref<128x16xf32, #tpu.memory_space<vmem>>
    %dma_start3A_131 = arith.constant 0 : i32
    %dma_start3A_132 = tpu.memref_slice %arg9[%dma_start3A_127, %dma_start3A_131] : memref<16x128xi32, #tpu.memory_space<vmem>> -> memref<1x128xi32, #tpu.memory_space<vmem>>
    %dma_start3A_133 = tpu.memref_squeeze %dma_start3A_132 : memref<1x128xi32, #tpu.memory_space<vmem>> -> memref<128xi32, #tpu.memory_space<vmem>>
    %dma_start3A_134 = arith.constant 0 : i32
    %dma_start3A_135 = arith.constant 0 : i32
    %dma_start3A_136 = tpu.memref_slice %arg12[%dma_start3A_134, %dma_start3A_135] : memref<2048x16xf32, #tpu.memory_space<vmem_shared>> -> memref<2048x16xf32, #tpu.memory_space<vmem_shared>>
    tpu.enqueue_indirect_dma source(%dma_start3A_136 : memref<2048x16xf32, #tpu.memory_space<vmem_shared>>) target(%dma_start3A_130 : memref<128x16xf32, #tpu.memory_space<vmem>>) offsets(%dma_start3A_133 : memref<128xi32, #tpu.memory_space<vmem>>) semaphore(%arg26 : memref<!tpu.dma_semaphore, #tpu.memory_space<semaphore_mem>>)
    %dma_start3A_137 = arith.constant 10 : i32
    %dma_start3A_138 = arith.constant 1280 : i32
    %dma_start3A_139 = arith.constant 0 : i32
    %dma_start3A_140 = tpu.memref_slice %arg11[%dma_start3A_138, %dma_start3A_139] : memref<2048x16xf32, #tpu.memory_space<vmem>> -> memref<128x16xf32, #tpu.memory_space<vmem>>
    %dma_start3A_141 = arith.constant 0 : i32
    %dma_start3A_142 = tpu.memref_slice %arg9[%dma_start3A_137, %dma_start3A_141] : memref<16x128xi32, #tpu.memory_space<vmem>> -> memref<1x128xi32, #tpu.memory_space<vmem>>
    %dma_start3A_143 = tpu.memref_squeeze %dma_start3A_142 : memref<1x128xi32, #tpu.memory_space<vmem>> -> memref<128xi32, #tpu.memory_space<vmem>>
    %dma_start3A_144 = arith.constant 0 : i32
    %dma_start3A_145 = arith.constant 0 : i32
    %dma_start3A_146 = tpu.memref_slice %arg12[%dma_start3A_144, %dma_start3A_145] : memref<2048x16xf32, #tpu.memory_space<vmem_shared>> -> memref<2048x16xf32, #tpu.memory_space<vmem_shared>>
    tpu.enqueue_indirect_dma source(%dma_start3A_146 : memref<2048x16xf32, #tpu.memory_space<vmem_shared>>) target(%dma_start3A_140 : memref<128x16xf32, #tpu.memory_space<vmem>>) offsets(%dma_start3A_143 : memref<128xi32, #tpu.memory_space<vmem>>) semaphore(%arg27 : memref<!tpu.dma_semaphore, #tpu.memory_space<semaphore_mem>>)
    %dma_start3A_147 = arith.constant 11 : i32
    %dma_start3A_148 = arith.constant 1408 : i32
    %dma_start3A_149 = arith.constant 0 : i32
    %dma_start3A_150 = tpu.memref_slice %arg11[%dma_start3A_148, %dma_start3A_149] : memref<2048x16xf32, #tpu.memory_space<vmem>> -> memref<128x16xf32, #tpu.memory_space<vmem>>
    %dma_start3A_151 = arith.constant 0 : i32
    %dma_start3A_152 = tpu.memref_slice %arg9[%dma_start3A_147, %dma_start3A_151] : memref<16x128xi32, #tpu.memory_space<vmem>> -> memref<1x128xi32, #tpu.memory_space<vmem>>
    %dma_start3A_153 = tpu.memref_squeeze %dma_start3A_152 : memref<1x128xi32, #tpu.memory_space<vmem>> -> memref<128xi32, #tpu.memory_space<vmem>>
    %dma_start3A_154 = arith.constant 0 : i32
    %dma_start3A_155 = arith.constant 0 : i32
    %dma_start3A_156 = tpu.memref_slice %arg12[%dma_start3A_154, %dma_start3A_155] : memref<2048x16xf32, #tpu.memory_space<vmem_shared>> -> memref<2048x16xf32, #tpu.memory_space<vmem_shared>>
    tpu.enqueue_indirect_dma source(%dma_start3A_156 : memref<2048x16xf32, #tpu.memory_space<vmem_shared>>) target(%dma_start3A_150 : memref<128x16xf32, #tpu.memory_space<vmem>>) offsets(%dma_start3A_153 : memref<128xi32, #tpu.memory_space<vmem>>) semaphore(%arg28 : memref<!tpu.dma_semaphore, #tpu.memory_space<semaphore_mem>>)
    %dma_start3A_157 = arith.constant 12 : i32
    %dma_start3A_158 = arith.constant 1536 : i32
    %dma_start3A_159 = arith.constant 0 : i32
    %dma_start3A_160 = tpu.memref_slice %arg11[%dma_start3A_158, %dma_start3A_159] : memref<2048x16xf32, #tpu.memory_space<vmem>> -> memref<128x16xf32, #tpu.memory_space<vmem>>
    %dma_start3A_161 = arith.constant 0 : i32
    %dma_start3A_162 = tpu.memref_slice %arg9[%dma_start3A_157, %dma_start3A_161] : memref<16x128xi32, #tpu.memory_space<vmem>> -> memref<1x128xi32, #tpu.memory_space<vmem>>
    %dma_start3A_163 = tpu.memref_squeeze %dma_start3A_162 : memref<1x128xi32, #tpu.memory_space<vmem>> -> memref<128xi32, #tpu.memory_space<vmem>>
    %dma_start3A_164 = arith.constant 0 : i32
    %dma_start3A_165 = arith.constant 0 : i32
    %dma_start3A_166 = tpu.memref_slice %arg12[%dma_start3A_164, %dma_start3A_165] : memref<2048x16xf32, #tpu.memory_space<vmem_shared>> -> memref<2048x16xf32, #tpu.memory_space<vmem_shared>>
    tpu.enqueue_indirect_dma source(%dma_start3A_166 : memref<2048x16xf32, #tpu.memory_space<vmem_shared>>) target(%dma_start3A_160 : memref<128x16xf32, #tpu.memory_space<vmem>>) offsets(%dma_start3A_163 : memref<128xi32, #tpu.memory_space<vmem>>) semaphore(%arg29 : memref<!tpu.dma_semaphore, #tpu.memory_space<semaphore_mem>>)
    %dma_start3A_167 = arith.constant 13 : i32
    %dma_start3A_168 = arith.constant 1664 : i32
    %dma_start3A_169 = arith.constant 0 : i32
    %dma_start3A_170 = tpu.memref_slice %arg11[%dma_start3A_168, %dma_start3A_169] : memref<2048x16xf32, #tpu.memory_space<vmem>> -> memref<128x16xf32, #tpu.memory_space<vmem>>
    %dma_start3A_171 = arith.constant 0 : i32
    %dma_start3A_172 = tpu.memref_slice %arg9[%dma_start3A_167, %dma_start3A_171] : memref<16x128xi32, #tpu.memory_space<vmem>> -> memref<1x128xi32, #tpu.memory_space<vmem>>
    %dma_start3A_173 = tpu.memref_squeeze %dma_start3A_172 : memref<1x128xi32, #tpu.memory_space<vmem>> -> memref<128xi32, #tpu.memory_space<vmem>>
    %dma_start3A_174 = arith.constant 0 : i32
    %dma_start3A_175 = arith.constant 0 : i32
    %dma_start3A_176 = tpu.memref_slice %arg12[%dma_start3A_174, %dma_start3A_175] : memref<2048x16xf32, #tpu.memory_space<vmem_shared>> -> memref<2048x16xf32, #tpu.memory_space<vmem_shared>>
    tpu.enqueue_indirect_dma source(%dma_start3A_176 : memref<2048x16xf32, #tpu.memory_space<vmem_shared>>) target(%dma_start3A_170 : memref<128x16xf32, #tpu.memory_space<vmem>>) offsets(%dma_start3A_173 : memref<128xi32, #tpu.memory_space<vmem>>) semaphore(%arg30 : memref<!tpu.dma_semaphore, #tpu.memory_space<semaphore_mem>>)
    %dma_start3A_177 = arith.constant 14 : i32
    %dma_start3A_178 = arith.constant 1792 : i32
    %dma_start3A_179 = arith.constant 0 : i32
    %dma_start3A_180 = tpu.memref_slice %arg11[%dma_start3A_178, %dma_start3A_179] : memref<2048x16xf32, #tpu.memory_space<vmem>> -> memref<128x16xf32, #tpu.memory_space<vmem>>
    %dma_start3A_181 = arith.constant 0 : i32
    %dma_start3A_182 = tpu.memref_slice %arg9[%dma_start3A_177, %dma_start3A_181] : memref<16x128xi32, #tpu.memory_space<vmem>> -> memref<1x128xi32, #tpu.memory_space<vmem>>
    %dma_start3A_183 = tpu.memref_squeeze %dma_start3A_182 : memref<1x128xi32, #tpu.memory_space<vmem>> -> memref<128xi32, #tpu.memory_space<vmem>>
    %dma_start3A_184 = arith.constant 0 : i32
    %dma_start3A_185 = arith.constant 0 : i32
    %dma_start3A_186 = tpu.memref_slice %arg12[%dma_start3A_184, %dma_start3A_185] : memref<2048x16xf32, #tpu.memory_space<vmem_shared>> -> memref<2048x16xf32, #tpu.memory_space<vmem_shared>>
    tpu.enqueue_indirect_dma source(%dma_start3A_186 : memref<2048x16xf32, #tpu.memory_space<vmem_shared>>) target(%dma_start3A_180 : memref<128x16xf32, #tpu.memory_space<vmem>>) offsets(%dma_start3A_183 : memref<128xi32, #tpu.memory_space<vmem>>) semaphore(%arg31 : memref<!tpu.dma_semaphore, #tpu.memory_space<semaphore_mem>>)
    %dma_start3A_187 = arith.constant 15 : i32
    %dma_start3A_188 = arith.constant 1920 : i32
    %dma_start3A_189 = arith.constant 0 : i32
    %dma_start3A_190 = tpu.memref_slice %arg11[%dma_start3A_188, %dma_start3A_189] : memref<2048x16xf32, #tpu.memory_space<vmem>> -> memref<128x16xf32, #tpu.memory_space<vmem>>
    %dma_start3A_191 = arith.constant 0 : i32
    %dma_start3A_192 = tpu.memref_slice %arg9[%dma_start3A_187, %dma_start3A_191] : memref<16x128xi32, #tpu.memory_space<vmem>> -> memref<1x128xi32, #tpu.memory_space<vmem>>
    %dma_start3A_193 = tpu.memref_squeeze %dma_start3A_192 : memref<1x128xi32, #tpu.memory_space<vmem>> -> memref<128xi32, #tpu.memory_space<vmem>>
    %dma_start3A_194 = arith.constant 0 : i32
    %dma_start3A_195 = arith.constant 0 : i32
    %dma_start3A_196 = tpu.memref_slice %arg12[%dma_start3A_194, %dma_start3A_195] : memref<2048x16xf32, #tpu.memory_space<vmem_shared>> -> memref<2048x16xf32, #tpu.memory_space<vmem_shared>>
    tpu.enqueue_indirect_dma source(%dma_start3A_196 : memref<2048x16xf32, #tpu.memory_space<vmem_shared>>) target(%dma_start3A_190 : memref<128x16xf32, #tpu.memory_space<vmem>>) offsets(%dma_start3A_193 : memref<128xi32, #tpu.memory_space<vmem>>) semaphore(%arg32 : memref<!tpu.dma_semaphore, #tpu.memory_space<semaphore_mem>>)
    %dma_wait3A_197 = arith.constant 0 : i32
    %dma_wait3A_198 = arith.constant 0 : i32
    %dma_wait3A_199 = arith.constant 0 : i32
    %dma_wait3A_200 = tpu.memref_slice %arg11[%dma_wait3A_198, %dma_wait3A_199] : memref<2048x16xf32, #tpu.memory_space<vmem>> -> memref<128x16xf32, #tpu.memory_space<vmem>>
    %dma_wait3A_201 = arith.constant 0 : i32
    %dma_wait3A_202 = tpu.memref_slice %arg9[%dma_wait3A_197, %dma_wait3A_201] : memref<16x128xi32, #tpu.memory_space<vmem>> -> memref<1x128xi32, #tpu.memory_space<vmem>>
    %dma_wait3A_203 = tpu.memref_squeeze %dma_wait3A_202 : memref<1x128xi32, #tpu.memory_space<vmem>> -> memref<128xi32, #tpu.memory_space<vmem>>
    %dma_wait3A_204 = arith.constant 0 : i32
    %dma_wait3A_205 = arith.constant 0 : i32
    %dma_wait3A_206 = tpu.memref_slice %arg12[%dma_wait3A_204, %dma_wait3A_205] : memref<2048x16xf32, #tpu.memory_space<vmem_shared>> -> memref<2048x16xf32, #tpu.memory_space<vmem_shared>>
    tpu.wait_indirect_dma semaphore(%arg17 : memref<!tpu.dma_semaphore, #tpu.memory_space<semaphore_mem>>) src(%dma_wait3A_206 : memref<2048x16xf32, #tpu.memory_space<vmem_shared>>) dst(%dma_wait3A_200 : memref<128x16xf32, #tpu.memory_space<vmem>>)
    %dma_start3A_207 = arith.constant 0 : i32
    %dma_start3A_208 = arith.constant 0 : i32
    %dma_start3A_209 = arith.constant 0 : i32
    %dma_start3A_210 = tpu.memref_slice %arg11[%dma_start3A_208, %dma_start3A_209] : memref<2048x16xf32, #tpu.memory_space<vmem>> -> memref<128x16xf32, #tpu.memory_space<vmem>>
    %dma_start3A_211 = arith.constant 0 : i32
    %dma_start3A_212 = tpu.memref_slice %arg10[%dma_start3A_207, %dma_start3A_211] : memref<16x128xi32, #tpu.memory_space<vmem>> -> memref<1x128xi32, #tpu.memory_space<vmem>>
    %dma_start3A_213 = tpu.memref_squeeze %dma_start3A_212 : memref<1x128xi32, #tpu.memory_space<vmem>> -> memref<128xi32, #tpu.memory_space<vmem>>
    %dma_start3A_214 = arith.constant 0 : i32
    %dma_start3A_215 = arith.constant 0 : i32
    %dma_start3A_216 = tpu.memref_slice %arg13[%dma_start3A_214, %dma_start3A_215] : memref<2048x16xf32, #tpu.memory_space<vmem_shared>> -> memref<2048x16xf32, #tpu.memory_space<vmem_shared>>
    tpu.enqueue_indirect_dma source(%dma_start3A_210 : memref<128x16xf32, #tpu.memory_space<vmem>>) target(%dma_start3A_216 : memref<2048x16xf32, #tpu.memory_space<vmem_shared>>) offsets(%dma_start3A_213 : memref<128xi32, #tpu.memory_space<vmem>>) semaphore(%arg16 : memref<!tpu.dma_semaphore, #tpu.memory_space<semaphore_mem>>) {add = true}
    %dma_wait3A_217 = arith.constant 1 : i32
    %dma_wait3A_218 = arith.constant 128 : i32
    %dma_wait3A_219 = arith.constant 0 : i32
    %dma_wait3A_220 = tpu.memref_slice %arg11[%dma_wait3A_218, %dma_wait3A_219] : memref<2048x16xf32, #tpu.memory_space<vmem>> -> memref<128x16xf32, #tpu.memory_space<vmem>>
    %dma_wait3A_221 = arith.constant 0 : i32
    %dma_wait3A_222 = tpu.memref_slice %arg9[%dma_wait3A_217, %dma_wait3A_221] : memref<16x128xi32, #tpu.memory_space<vmem>> -> memref<1x128xi32, #tpu.memory_space<vmem>>
    %dma_wait3A_223 = tpu.memref_squeeze %dma_wait3A_222 : memref<1x128xi32, #tpu.memory_space<vmem>> -> memref<128xi32, #tpu.memory_space<vmem>>
    %dma_wait3A_224 = arith.constant 0 : i32
    %dma_wait3A_225 = arith.constant 0 : i32
    %dma_wait3A_226 = tpu.memref_slice %arg12[%dma_wait3A_224, %dma_wait3A_225] : memref<2048x16xf32, #tpu.memory_space<vmem_shared>> -> memref<2048x16xf32, #tpu.memory_space<vmem_shared>>
    tpu.wait_indirect_dma semaphore(%arg18 : memref<!tpu.dma_semaphore, #tpu.memory_space<semaphore_mem>>) src(%dma_wait3A_226 : memref<2048x16xf32, #tpu.memory_space<vmem_shared>>) dst(%dma_wait3A_220 : memref<128x16xf32, #tpu.memory_space<vmem>>)
    %dma_start3A_227 = arith.constant 1 : i32
    %dma_start3A_228 = arith.constant 128 : i32
    %dma_start3A_229 = arith.constant 0 : i32
    %dma_start3A_230 = tpu.memref_slice %arg11[%dma_start3A_228, %dma_start3A_229] : memref<2048x16xf32, #tpu.memory_space<vmem>> -> memref<128x16xf32, #tpu.memory_space<vmem>>
    %dma_start3A_231 = arith.constant 0 : i32
    %dma_start3A_232 = tpu.memref_slice %arg10[%dma_start3A_227, %dma_start3A_231] : memref<16x128xi32, #tpu.memory_space<vmem>> -> memref<1x128xi32, #tpu.memory_space<vmem>>
    %dma_start3A_233 = tpu.memref_squeeze %dma_start3A_232 : memref<1x128xi32, #tpu.memory_space<vmem>> -> memref<128xi32, #tpu.memory_space<vmem>>
    %dma_start3A_234 = arith.constant 0 : i32
    %dma_start3A_235 = arith.constant 0 : i32
    %dma_start3A_236 = tpu.memref_slice %arg13[%dma_start3A_234, %dma_start3A_235] : memref<2048x16xf32, #tpu.memory_space<vmem_shared>> -> memref<2048x16xf32, #tpu.memory_space<vmem_shared>>
    tpu.enqueue_indirect_dma source(%dma_start3A_230 : memref<128x16xf32, #tpu.memory_space<vmem>>) target(%dma_start3A_236 : memref<2048x16xf32, #tpu.memory_space<vmem_shared>>) offsets(%dma_start3A_233 : memref<128xi32, #tpu.memory_space<vmem>>) semaphore(%arg16 : memref<!tpu.dma_semaphore, #tpu.memory_space<semaphore_mem>>) {add = true}
    %dma_wait3A_237 = arith.constant 2 : i32
    %dma_wait3A_238 = arith.constant 256 : i32
    %dma_wait3A_239 = arith.constant 0 : i32
    %dma_wait3A_240 = tpu.memref_slice %arg11[%dma_wait3A_238, %dma_wait3A_239] : memref<2048x16xf32, #tpu.memory_space<vmem>> -> memref<128x16xf32, #tpu.memory_space<vmem>>
    %dma_wait3A_241 = arith.constant 0 : i32
    %dma_wait3A_242 = tpu.memref_slice %arg9[%dma_wait3A_237, %dma_wait3A_241] : memref<16x128xi32, #tpu.memory_space<vmem>> -> memref<1x128xi32, #tpu.memory_space<vmem>>
    %dma_wait3A_243 = tpu.memref_squeeze %dma_wait3A_242 : memref<1x128xi32, #tpu.memory_space<vmem>> -> memref<128xi32, #tpu.memory_space<vmem>>
    %dma_wait3A_244 = arith.constant 0 : i32
    %dma_wait3A_245 = arith.constant 0 : i32
    %dma_wait3A_246 = tpu.memref_slice %arg12[%dma_wait3A_244, %dma_wait3A_245] : memref<2048x16xf32, #tpu.memory_space<vmem_shared>> -> memref<2048x16xf32, #tpu.memory_space<vmem_shared>>
    tpu.wait_indirect_dma semaphore(%arg19 : memref<!tpu.dma_semaphore, #tpu.memory_space<semaphore_mem>>) src(%dma_wait3A_246 : memref<2048x16xf32, #tpu.memory_space<vmem_shared>>) dst(%dma_wait3A_240 : memref<128x16xf32, #tpu.memory_space<vmem>>)
    %dma_start3A_247 = arith.constant 2 : i32
    %dma_start3A_248 = arith.constant 256 : i32
    %dma_start3A_249 = arith.constant 0 : i32
    %dma_start3A_250 = tpu.memref_slice %arg11[%dma_start3A_248, %dma_start3A_249] : memref<2048x16xf32, #tpu.memory_space<vmem>> -> memref<128x16xf32, #tpu.memory_space<vmem>>
    %dma_start3A_251 = arith.constant 0 : i32
    %dma_start3A_252 = tpu.memref_slice %arg10[%dma_start3A_247, %dma_start3A_251] : memref<16x128xi32, #tpu.memory_space<vmem>> -> memref<1x128xi32, #tpu.memory_space<vmem>>
    %dma_start3A_253 = tpu.memref_squeeze %dma_start3A_252 : memref<1x128xi32, #tpu.memory_space<vmem>> -> memref<128xi32, #tpu.memory_space<vmem>>
    %dma_start3A_254 = arith.constant 0 : i32
    %dma_start3A_255 = arith.constant 0 : i32
    %dma_start3A_256 = tpu.memref_slice %arg13[%dma_start3A_254, %dma_start3A_255] : memref<2048x16xf32, #tpu.memory_space<vmem_shared>> -> memref<2048x16xf32, #tpu.memory_space<vmem_shared>>
    tpu.enqueue_indirect_dma source(%dma_start3A_250 : memref<128x16xf32, #tpu.memory_space<vmem>>) target(%dma_start3A_256 : memref<2048x16xf32, #tpu.memory_space<vmem_shared>>) offsets(%dma_start3A_253 : memref<128xi32, #tpu.memory_space<vmem>>) semaphore(%arg16 : memref<!tpu.dma_semaphore, #tpu.memory_space<semaphore_mem>>) {add = true}
    %dma_wait3A_257 = arith.constant 3 : i32
    %dma_wait3A_258 = arith.constant 384 : i32
    %dma_wait3A_259 = arith.constant 0 : i32
    %dma_wait3A_260 = tpu.memref_slice %arg11[%dma_wait3A_258, %dma_wait3A_259] : memref<2048x16xf32, #tpu.memory_space<vmem>> -> memref<128x16xf32, #tpu.memory_space<vmem>>
    %dma_wait3A_261 = arith.constant 0 : i32
    %dma_wait3A_262 = tpu.memref_slice %arg9[%dma_wait3A_257, %dma_wait3A_261] : memref<16x128xi32, #tpu.memory_space<vmem>> -> memref<1x128xi32, #tpu.memory_space<vmem>>
    %dma_wait3A_263 = tpu.memref_squeeze %dma_wait3A_262 : memref<1x128xi32, #tpu.memory_space<vmem>> -> memref<128xi32, #tpu.memory_space<vmem>>
    %dma_wait3A_264 = arith.constant 0 : i32
    %dma_wait3A_265 = arith.constant 0 : i32
    %dma_wait3A_266 = tpu.memref_slice %arg12[%dma_wait3A_264, %dma_wait3A_265] : memref<2048x16xf32, #tpu.memory_space<vmem_shared>> -> memref<2048x16xf32, #tpu.memory_space<vmem_shared>>
    tpu.wait_indirect_dma semaphore(%arg20 : memref<!tpu.dma_semaphore, #tpu.memory_space<semaphore_mem>>) src(%dma_wait3A_266 : memref<2048x16xf32, #tpu.memory_space<vmem_shared>>) dst(%dma_wait3A_260 : memref<128x16xf32, #tpu.memory_space<vmem>>)
    %dma_start3A_267 = arith.constant 3 : i32
    %dma_start3A_268 = arith.constant 384 : i32
    %dma_start3A_269 = arith.constant 0 : i32
    %dma_start3A_270 = tpu.memref_slice %arg11[%dma_start3A_268, %dma_start3A_269] : memref<2048x16xf32, #tpu.memory_space<vmem>> -> memref<128x16xf32, #tpu.memory_space<vmem>>
    %dma_start3A_271 = arith.constant 0 : i32
    %dma_start3A_272 = tpu.memref_slice %arg10[%dma_start3A_267, %dma_start3A_271] : memref<16x128xi32, #tpu.memory_space<vmem>> -> memref<1x128xi32, #tpu.memory_space<vmem>>
    %dma_start3A_273 = tpu.memref_squeeze %dma_start3A_272 : memref<1x128xi32, #tpu.memory_space<vmem>> -> memref<128xi32, #tpu.memory_space<vmem>>
    %dma_start3A_274 = arith.constant 0 : i32
    %dma_start3A_275 = arith.constant 0 : i32
    %dma_start3A_276 = tpu.memref_slice %arg13[%dma_start3A_274, %dma_start3A_275] : memref<2048x16xf32, #tpu.memory_space<vmem_shared>> -> memref<2048x16xf32, #tpu.memory_space<vmem_shared>>
    tpu.enqueue_indirect_dma source(%dma_start3A_270 : memref<128x16xf32, #tpu.memory_space<vmem>>) target(%dma_start3A_276 : memref<2048x16xf32, #tpu.memory_space<vmem_shared>>) offsets(%dma_start3A_273 : memref<128xi32, #tpu.memory_space<vmem>>) semaphore(%arg16 : memref<!tpu.dma_semaphore, #tpu.memory_space<semaphore_mem>>) {add = true}
    %dma_wait3A_277 = arith.constant 4 : i32
    %dma_wait3A_278 = arith.constant 512 : i32
    %dma_wait3A_279 = arith.constant 0 : i32
    %dma_wait3A_280 = tpu.memref_slice %arg11[%dma_wait3A_278, %dma_wait3A_279] : memref<2048x16xf32, #tpu.memory_space<vmem>> -> memref<128x16xf32, #tpu.memory_space<vmem>>
    %dma_wait3A_281 = arith.constant 0 : i32
    %dma_wait3A_282 = tpu.memref_slice %arg9[%dma_wait3A_277, %dma_wait3A_281] : memref<16x128xi32, #tpu.memory_space<vmem>> -> memref<1x128xi32, #tpu.memory_space<vmem>>
    %dma_wait3A_283 = tpu.memref_squeeze %dma_wait3A_282 : memref<1x128xi32, #tpu.memory_space<vmem>> -> memref<128xi32, #tpu.memory_space<vmem>>
    %dma_wait3A_284 = arith.constant 0 : i32
    %dma_wait3A_285 = arith.constant 0 : i32
    %dma_wait3A_286 = tpu.memref_slice %arg12[%dma_wait3A_284, %dma_wait3A_285] : memref<2048x16xf32, #tpu.memory_space<vmem_shared>> -> memref<2048x16xf32, #tpu.memory_space<vmem_shared>>
    tpu.wait_indirect_dma semaphore(%arg21 : memref<!tpu.dma_semaphore, #tpu.memory_space<semaphore_mem>>) src(%dma_wait3A_286 : memref<2048x16xf32, #tpu.memory_space<vmem_shared>>) dst(%dma_wait3A_280 : memref<128x16xf32, #tpu.memory_space<vmem>>)
    %dma_start3A_287 = arith.constant 4 : i32
    %dma_start3A_288 = arith.constant 512 : i32
    %dma_start3A_289 = arith.constant 0 : i32
    %dma_start3A_290 = tpu.memref_slice %arg11[%dma_start3A_288, %dma_start3A_289] : memref<2048x16xf32, #tpu.memory_space<vmem>> -> memref<128x16xf32, #tpu.memory_space<vmem>>
    %dma_start3A_291 = arith.constant 0 : i32
    %dma_start3A_292 = tpu.memref_slice %arg10[%dma_start3A_287, %dma_start3A_291] : memref<16x128xi32, #tpu.memory_space<vmem>> -> memref<1x128xi32, #tpu.memory_space<vmem>>
    %dma_start3A_293 = tpu.memref_squeeze %dma_start3A_292 : memref<1x128xi32, #tpu.memory_space<vmem>> -> memref<128xi32, #tpu.memory_space<vmem>>
    %dma_start3A_294 = arith.constant 0 : i32
    %dma_start3A_295 = arith.constant 0 : i32
    %dma_start3A_296 = tpu.memref_slice %arg13[%dma_start3A_294, %dma_start3A_295] : memref<2048x16xf32, #tpu.memory_space<vmem_shared>> -> memref<2048x16xf32, #tpu.memory_space<vmem_shared>>
    tpu.enqueue_indirect_dma source(%dma_start3A_290 : memref<128x16xf32, #tpu.memory_space<vmem>>) target(%dma_start3A_296 : memref<2048x16xf32, #tpu.memory_space<vmem_shared>>) offsets(%dma_start3A_293 : memref<128xi32, #tpu.memory_space<vmem>>) semaphore(%arg16 : memref<!tpu.dma_semaphore, #tpu.memory_space<semaphore_mem>>) {add = true}
    %dma_wait3A_297 = arith.constant 5 : i32
    %dma_wait3A_298 = arith.constant 640 : i32
    %dma_wait3A_299 = arith.constant 0 : i32
    %dma_wait3A_300 = tpu.memref_slice %arg11[%dma_wait3A_298, %dma_wait3A_299] : memref<2048x16xf32, #tpu.memory_space<vmem>> -> memref<128x16xf32, #tpu.memory_space<vmem>>
    %dma_wait3A_301 = arith.constant 0 : i32
    %dma_wait3A_302 = tpu.memref_slice %arg9[%dma_wait3A_297, %dma_wait3A_301] : memref<16x128xi32, #tpu.memory_space<vmem>> -> memref<1x128xi32, #tpu.memory_space<vmem>>
    %dma_wait3A_303 = tpu.memref_squeeze %dma_wait3A_302 : memref<1x128xi32, #tpu.memory_space<vmem>> -> memref<128xi32, #tpu.memory_space<vmem>>
    %dma_wait3A_304 = arith.constant 0 : i32
    %dma_wait3A_305 = arith.constant 0 : i32
    %dma_wait3A_306 = tpu.memref_slice %arg12[%dma_wait3A_304, %dma_wait3A_305] : memref<2048x16xf32, #tpu.memory_space<vmem_shared>> -> memref<2048x16xf32, #tpu.memory_space<vmem_shared>>
    tpu.wait_indirect_dma semaphore(%arg22 : memref<!tpu.dma_semaphore, #tpu.memory_space<semaphore_mem>>) src(%dma_wait3A_306 : memref<2048x16xf32, #tpu.memory_space<vmem_shared>>) dst(%dma_wait3A_300 : memref<128x16xf32, #tpu.memory_space<vmem>>)
    %dma_start3A_307 = arith.constant 5 : i32
    %dma_start3A_308 = arith.constant 640 : i32
    %dma_start3A_309 = arith.constant 0 : i32
    %dma_start3A_310 = tpu.memref_slice %arg11[%dma_start3A_308, %dma_start3A_309] : memref<2048x16xf32, #tpu.memory_space<vmem>> -> memref<128x16xf32, #tpu.memory_space<vmem>>
    %dma_start3A_311 = arith.constant 0 : i32
    %dma_start3A_312 = tpu.memref_slice %arg10[%dma_start3A_307, %dma_start3A_311] : memref<16x128xi32, #tpu.memory_space<vmem>> -> memref<1x128xi32, #tpu.memory_space<vmem>>
    %dma_start3A_313 = tpu.memref_squeeze %dma_start3A_312 : memref<1x128xi32, #tpu.memory_space<vmem>> -> memref<128xi32, #tpu.memory_space<vmem>>
    %dma_start3A_314 = arith.constant 0 : i32
    %dma_start3A_315 = arith.constant 0 : i32
    %dma_start3A_316 = tpu.memref_slice %arg13[%dma_start3A_314, %dma_start3A_315] : memref<2048x16xf32, #tpu.memory_space<vmem_shared>> -> memref<2048x16xf32, #tpu.memory_space<vmem_shared>>
    tpu.enqueue_indirect_dma source(%dma_start3A_310 : memref<128x16xf32, #tpu.memory_space<vmem>>) target(%dma_start3A_316 : memref<2048x16xf32, #tpu.memory_space<vmem_shared>>) offsets(%dma_start3A_313 : memref<128xi32, #tpu.memory_space<vmem>>) semaphore(%arg16 : memref<!tpu.dma_semaphore, #tpu.memory_space<semaphore_mem>>) {add = true}
    %dma_wait3A_317 = arith.constant 6 : i32
    %dma_wait3A_318 = arith.constant 768 : i32
    %dma_wait3A_319 = arith.constant 0 : i32
    %dma_wait3A_320 = tpu.memref_slice %arg11[%dma_wait3A_318, %dma_wait3A_319] : memref<2048x16xf32, #tpu.memory_space<vmem>> -> memref<128x16xf32, #tpu.memory_space<vmem>>
    %dma_wait3A_321 = arith.constant 0 : i32
    %dma_wait3A_322 = tpu.memref_slice %arg9[%dma_wait3A_317, %dma_wait3A_321] : memref<16x128xi32, #tpu.memory_space<vmem>> -> memref<1x128xi32, #tpu.memory_space<vmem>>
    %dma_wait3A_323 = tpu.memref_squeeze %dma_wait3A_322 : memref<1x128xi32, #tpu.memory_space<vmem>> -> memref<128xi32, #tpu.memory_space<vmem>>
    %dma_wait3A_324 = arith.constant 0 : i32
    %dma_wait3A_325 = arith.constant 0 : i32
    %dma_wait3A_326 = tpu.memref_slice %arg12[%dma_wait3A_324, %dma_wait3A_325] : memref<2048x16xf32, #tpu.memory_space<vmem_shared>> -> memref<2048x16xf32, #tpu.memory_space<vmem_shared>>
    tpu.wait_indirect_dma semaphore(%arg23 : memref<!tpu.dma_semaphore, #tpu.memory_space<semaphore_mem>>) src(%dma_wait3A_326 : memref<2048x16xf32, #tpu.memory_space<vmem_shared>>) dst(%dma_wait3A_320 : memref<128x16xf32, #tpu.memory_space<vmem>>)
    %dma_start3A_327 = arith.constant 6 : i32
    %dma_start3A_328 = arith.constant 768 : i32
    %dma_start3A_329 = arith.constant 0 : i32
    %dma_start3A_330 = tpu.memref_slice %arg11[%dma_start3A_328, %dma_start3A_329] : memref<2048x16xf32, #tpu.memory_space<vmem>> -> memref<128x16xf32, #tpu.memory_space<vmem>>
    %dma_start3A_331 = arith.constant 0 : i32
    %dma_start3A_332 = tpu.memref_slice %arg10[%dma_start3A_327, %dma_start3A_331] : memref<16x128xi32, #tpu.memory_space<vmem>> -> memref<1x128xi32, #tpu.memory_space<vmem>>
    %dma_start3A_333 = tpu.memref_squeeze %dma_start3A_332 : memref<1x128xi32, #tpu.memory_space<vmem>> -> memref<128xi32, #tpu.memory_space<vmem>>
    %dma_start3A_334 = arith.constant 0 : i32
    %dma_start3A_335 = arith.constant 0 : i32
    %dma_start3A_336 = tpu.memref_slice %arg13[%dma_start3A_334, %dma_start3A_335] : memref<2048x16xf32, #tpu.memory_space<vmem_shared>> -> memref<2048x16xf32, #tpu.memory_space<vmem_shared>>
    tpu.enqueue_indirect_dma source(%dma_start3A_330 : memref<128x16xf32, #tpu.memory_space<vmem>>) target(%dma_start3A_336 : memref<2048x16xf32, #tpu.memory_space<vmem_shared>>) offsets(%dma_start3A_333 : memref<128xi32, #tpu.memory_space<vmem>>) semaphore(%arg16 : memref<!tpu.dma_semaphore, #tpu.memory_space<semaphore_mem>>) {add = true}
    %dma_wait3A_337 = arith.constant 7 : i32
    %dma_wait3A_338 = arith.constant 896 : i32
    %dma_wait3A_339 = arith.constant 0 : i32
    %dma_wait3A_340 = tpu.memref_slice %arg11[%dma_wait3A_338, %dma_wait3A_339] : memref<2048x16xf32, #tpu.memory_space<vmem>> -> memref<128x16xf32, #tpu.memory_space<vmem>>
    %dma_wait3A_341 = arith.constant 0 : i32
    %dma_wait3A_342 = tpu.memref_slice %arg9[%dma_wait3A_337, %dma_wait3A_341] : memref<16x128xi32, #tpu.memory_space<vmem>> -> memref<1x128xi32, #tpu.memory_space<vmem>>
    %dma_wait3A_343 = tpu.memref_squeeze %dma_wait3A_342 : memref<1x128xi32, #tpu.memory_space<vmem>> -> memref<128xi32, #tpu.memory_space<vmem>>
    %dma_wait3A_344 = arith.constant 0 : i32
    %dma_wait3A_345 = arith.constant 0 : i32
    %dma_wait3A_346 = tpu.memref_slice %arg12[%dma_wait3A_344, %dma_wait3A_345] : memref<2048x16xf32, #tpu.memory_space<vmem_shared>> -> memref<2048x16xf32, #tpu.memory_space<vmem_shared>>
    tpu.wait_indirect_dma semaphore(%arg24 : memref<!tpu.dma_semaphore, #tpu.memory_space<semaphore_mem>>) src(%dma_wait3A_346 : memref<2048x16xf32, #tpu.memory_space<vmem_shared>>) dst(%dma_wait3A_340 : memref<128x16xf32, #tpu.memory_space<vmem>>)
    %dma_start3A_347 = arith.constant 7 : i32
    %dma_start3A_348 = arith.constant 896 : i32
    %dma_start3A_349 = arith.constant 0 : i32
    %dma_start3A_350 = tpu.memref_slice %arg11[%dma_start3A_348, %dma_start3A_349] : memref<2048x16xf32, #tpu.memory_space<vmem>> -> memref<128x16xf32, #tpu.memory_space<vmem>>
    %dma_start3A_351 = arith.constant 0 : i32
    %dma_start3A_352 = tpu.memref_slice %arg10[%dma_start3A_347, %dma_start3A_351] : memref<16x128xi32, #tpu.memory_space<vmem>> -> memref<1x128xi32, #tpu.memory_space<vmem>>
    %dma_start3A_353 = tpu.memref_squeeze %dma_start3A_352 : memref<1x128xi32, #tpu.memory_space<vmem>> -> memref<128xi32, #tpu.memory_space<vmem>>
    %dma_start3A_354 = arith.constant 0 : i32
    %dma_start3A_355 = arith.constant 0 : i32
    %dma_start3A_356 = tpu.memref_slice %arg13[%dma_start3A_354, %dma_start3A_355] : memref<2048x16xf32, #tpu.memory_space<vmem_shared>> -> memref<2048x16xf32, #tpu.memory_space<vmem_shared>>
    tpu.enqueue_indirect_dma source(%dma_start3A_350 : memref<128x16xf32, #tpu.memory_space<vmem>>) target(%dma_start3A_356 : memref<2048x16xf32, #tpu.memory_space<vmem_shared>>) offsets(%dma_start3A_353 : memref<128xi32, #tpu.memory_space<vmem>>) semaphore(%arg16 : memref<!tpu.dma_semaphore, #tpu.memory_space<semaphore_mem>>) {add = true}
    %dma_wait3A_357 = arith.constant 8 : i32
    %dma_wait3A_358 = arith.constant 1024 : i32
    %dma_wait3A_359 = arith.constant 0 : i32
    %dma_wait3A_360 = tpu.memref_slice %arg11[%dma_wait3A_358, %dma_wait3A_359] : memref<2048x16xf32, #tpu.memory_space<vmem>> -> memref<128x16xf32, #tpu.memory_space<vmem>>
    %dma_wait3A_361 = arith.constant 0 : i32
    %dma_wait3A_362 = tpu.memref_slice %arg9[%dma_wait3A_357, %dma_wait3A_361] : memref<16x128xi32, #tpu.memory_space<vmem>> -> memref<1x128xi32, #tpu.memory_space<vmem>>
    %dma_wait3A_363 = tpu.memref_squeeze %dma_wait3A_362 : memref<1x128xi32, #tpu.memory_space<vmem>> -> memref<128xi32, #tpu.memory_space<vmem>>
    %dma_wait3A_364 = arith.constant 0 : i32
    %dma_wait3A_365 = arith.constant 0 : i32
    %dma_wait3A_366 = tpu.memref_slice %arg12[%dma_wait3A_364, %dma_wait3A_365] : memref<2048x16xf32, #tpu.memory_space<vmem_shared>> -> memref<2048x16xf32, #tpu.memory_space<vmem_shared>>
    tpu.wait_indirect_dma semaphore(%arg25 : memref<!tpu.dma_semaphore, #tpu.memory_space<semaphore_mem>>) src(%dma_wait3A_366 : memref<2048x16xf32, #tpu.memory_space<vmem_shared>>) dst(%dma_wait3A_360 : memref<128x16xf32, #tpu.memory_space<vmem>>)
    %dma_start3A_367 = arith.constant 8 : i32
    %dma_start3A_368 = arith.constant 1024 : i32
    %dma_start3A_369 = arith.constant 0 : i32
    %dma_start3A_370 = tpu.memref_slice %arg11[%dma_start3A_368, %dma_start3A_369] : memref<2048x16xf32, #tpu.memory_space<vmem>> -> memref<128x16xf32, #tpu.memory_space<vmem>>
    %dma_start3A_371 = arith.constant 0 : i32
    %dma_start3A_372 = tpu.memref_slice %arg10[%dma_start3A_367, %dma_start3A_371] : memref<16x128xi32, #tpu.memory_space<vmem>> -> memref<1x128xi32, #tpu.memory_space<vmem>>
    %dma_start3A_373 = tpu.memref_squeeze %dma_start3A_372 : memref<1x128xi32, #tpu.memory_space<vmem>> -> memref<128xi32, #tpu.memory_space<vmem>>
    %dma_start3A_374 = arith.constant 0 : i32
    %dma_start3A_375 = arith.constant 0 : i32
    %dma_start3A_376 = tpu.memref_slice %arg13[%dma_start3A_374, %dma_start3A_375] : memref<2048x16xf32, #tpu.memory_space<vmem_shared>> -> memref<2048x16xf32, #tpu.memory_space<vmem_shared>>
    tpu.enqueue_indirect_dma source(%dma_start3A_370 : memref<128x16xf32, #tpu.memory_space<vmem>>) target(%dma_start3A_376 : memref<2048x16xf32, #tpu.memory_space<vmem_shared>>) offsets(%dma_start3A_373 : memref<128xi32, #tpu.memory_space<vmem>>) semaphore(%arg16 : memref<!tpu.dma_semaphore, #tpu.memory_space<semaphore_mem>>) {add = true}
    %dma_wait3A_377 = arith.constant 9 : i32
    %dma_wait3A_378 = arith.constant 1152 : i32
    %dma_wait3A_379 = arith.constant 0 : i32
    %dma_wait3A_380 = tpu.memref_slice %arg11[%dma_wait3A_378, %dma_wait3A_379] : memref<2048x16xf32, #tpu.memory_space<vmem>> -> memref<128x16xf32, #tpu.memory_space<vmem>>
    %dma_wait3A_381 = arith.constant 0 : i32
    %dma_wait3A_382 = tpu.memref_slice %arg9[%dma_wait3A_377, %dma_wait3A_381] : memref<16x128xi32, #tpu.memory_space<vmem>> -> memref<1x128xi32, #tpu.memory_space<vmem>>
    %dma_wait3A_383 = tpu.memref_squeeze %dma_wait3A_382 : memref<1x128xi32, #tpu.memory_space<vmem>> -> memref<128xi32, #tpu.memory_space<vmem>>
    %dma_wait3A_384 = arith.constant 0 : i32
    %dma_wait3A_385 = arith.constant 0 : i32
    %dma_wait3A_386 = tpu.memref_slice %arg12[%dma_wait3A_384, %dma_wait3A_385] : memref<2048x16xf32, #tpu.memory_space<vmem_shared>> -> memref<2048x16xf32, #tpu.memory_space<vmem_shared>>
    tpu.wait_indirect_dma semaphore(%arg26 : memref<!tpu.dma_semaphore, #tpu.memory_space<semaphore_mem>>) src(%dma_wait3A_386 : memref<2048x16xf32, #tpu.memory_space<vmem_shared>>) dst(%dma_wait3A_380 : memref<128x16xf32, #tpu.memory_space<vmem>>)
    %dma_start3A_387 = arith.constant 9 : i32
    %dma_start3A_388 = arith.constant 1152 : i32
    %dma_start3A_389 = arith.constant 0 : i32
    %dma_start3A_390 = tpu.memref_slice %arg11[%dma_start3A_388, %dma_start3A_389] : memref<2048x16xf32, #tpu.memory_space<vmem>> -> memref<128x16xf32, #tpu.memory_space<vmem>>
    %dma_start3A_391 = arith.constant 0 : i32
    %dma_start3A_392 = tpu.memref_slice %arg10[%dma_start3A_387, %dma_start3A_391] : memref<16x128xi32, #tpu.memory_space<vmem>> -> memref<1x128xi32, #tpu.memory_space<vmem>>
    %dma_start3A_393 = tpu.memref_squeeze %dma_start3A_392 : memref<1x128xi32, #tpu.memory_space<vmem>> -> memref<128xi32, #tpu.memory_space<vmem>>
    %dma_start3A_394 = arith.constant 0 : i32
    %dma_start3A_395 = arith.constant 0 : i32
    %dma_start3A_396 = tpu.memref_slice %arg13[%dma_start3A_394, %dma_start3A_395] : memref<2048x16xf32, #tpu.memory_space<vmem_shared>> -> memref<2048x16xf32, #tpu.memory_space<vmem_shared>>
    tpu.enqueue_indirect_dma source(%dma_start3A_390 : memref<128x16xf32, #tpu.memory_space<vmem>>) target(%dma_start3A_396 : memref<2048x16xf32, #tpu.memory_space<vmem_shared>>) offsets(%dma_start3A_393 : memref<128xi32, #tpu.memory_space<vmem>>) semaphore(%arg16 : memref<!tpu.dma_semaphore, #tpu.memory_space<semaphore_mem>>) {add = true}
    %dma_wait3A_397 = arith.constant 10 : i32
    %dma_wait3A_398 = arith.constant 1280 : i32
    %dma_wait3A_399 = arith.constant 0 : i32
    %dma_wait3A_400 = tpu.memref_slice %arg11[%dma_wait3A_398, %dma_wait3A_399] : memref<2048x16xf32, #tpu.memory_space<vmem>> -> memref<128x16xf32, #tpu.memory_space<vmem>>
    %dma_wait3A_401 = arith.constant 0 : i32
    %dma_wait3A_402 = tpu.memref_slice %arg9[%dma_wait3A_397, %dma_wait3A_401] : memref<16x128xi32, #tpu.memory_space<vmem>> -> memref<1x128xi32, #tpu.memory_space<vmem>>
    %dma_wait3A_403 = tpu.memref_squeeze %dma_wait3A_402 : memref<1x128xi32, #tpu.memory_space<vmem>> -> memref<128xi32, #tpu.memory_space<vmem>>
    %dma_wait3A_404 = arith.constant 0 : i32
    %dma_wait3A_405 = arith.constant 0 : i32
    %dma_wait3A_406 = tpu.memref_slice %arg12[%dma_wait3A_404, %dma_wait3A_405] : memref<2048x16xf32, #tpu.memory_space<vmem_shared>> -> memref<2048x16xf32, #tpu.memory_space<vmem_shared>>
    tpu.wait_indirect_dma semaphore(%arg27 : memref<!tpu.dma_semaphore, #tpu.memory_space<semaphore_mem>>) src(%dma_wait3A_406 : memref<2048x16xf32, #tpu.memory_space<vmem_shared>>) dst(%dma_wait3A_400 : memref<128x16xf32, #tpu.memory_space<vmem>>)
    %dma_start3A_407 = arith.constant 10 : i32
    %dma_start3A_408 = arith.constant 1280 : i32
    %dma_start3A_409 = arith.constant 0 : i32
    %dma_start3A_410 = tpu.memref_slice %arg11[%dma_start3A_408, %dma_start3A_409] : memref<2048x16xf32, #tpu.memory_space<vmem>> -> memref<128x16xf32, #tpu.memory_space<vmem>>
    %dma_start3A_411 = arith.constant 0 : i32
    %dma_start3A_412 = tpu.memref_slice %arg10[%dma_start3A_407, %dma_start3A_411] : memref<16x128xi32, #tpu.memory_space<vmem>> -> memref<1x128xi32, #tpu.memory_space<vmem>>
    %dma_start3A_413 = tpu.memref_squeeze %dma_start3A_412 : memref<1x128xi32, #tpu.memory_space<vmem>> -> memref<128xi32, #tpu.memory_space<vmem>>
    %dma_start3A_414 = arith.constant 0 : i32
    %dma_start3A_415 = arith.constant 0 : i32
    %dma_start3A_416 = tpu.memref_slice %arg13[%dma_start3A_414, %dma_start3A_415] : memref<2048x16xf32, #tpu.memory_space<vmem_shared>> -> memref<2048x16xf32, #tpu.memory_space<vmem_shared>>
    tpu.enqueue_indirect_dma source(%dma_start3A_410 : memref<128x16xf32, #tpu.memory_space<vmem>>) target(%dma_start3A_416 : memref<2048x16xf32, #tpu.memory_space<vmem_shared>>) offsets(%dma_start3A_413 : memref<128xi32, #tpu.memory_space<vmem>>) semaphore(%arg16 : memref<!tpu.dma_semaphore, #tpu.memory_space<semaphore_mem>>) {add = true}
    %dma_wait3A_417 = arith.constant 11 : i32
    %dma_wait3A_418 = arith.constant 1408 : i32
    %dma_wait3A_419 = arith.constant 0 : i32
    %dma_wait3A_420 = tpu.memref_slice %arg11[%dma_wait3A_418, %dma_wait3A_419] : memref<2048x16xf32, #tpu.memory_space<vmem>> -> memref<128x16xf32, #tpu.memory_space<vmem>>
    %dma_wait3A_421 = arith.constant 0 : i32
    %dma_wait3A_422 = tpu.memref_slice %arg9[%dma_wait3A_417, %dma_wait3A_421] : memref<16x128xi32, #tpu.memory_space<vmem>> -> memref<1x128xi32, #tpu.memory_space<vmem>>
    %dma_wait3A_423 = tpu.memref_squeeze %dma_wait3A_422 : memref<1x128xi32, #tpu.memory_space<vmem>> -> memref<128xi32, #tpu.memory_space<vmem>>
    %dma_wait3A_424 = arith.constant 0 : i32
    %dma_wait3A_425 = arith.constant 0 : i32
    %dma_wait3A_426 = tpu.memref_slice %arg12[%dma_wait3A_424, %dma_wait3A_425] : memref<2048x16xf32, #tpu.memory_space<vmem_shared>> -> memref<2048x16xf32, #tpu.memory_space<vmem_shared>>
    tpu.wait_indirect_dma semaphore(%arg28 : memref<!tpu.dma_semaphore, #tpu.memory_space<semaphore_mem>>) src(%dma_wait3A_426 : memref<2048x16xf32, #tpu.memory_space<vmem_shared>>) dst(%dma_wait3A_420 : memref<128x16xf32, #tpu.memory_space<vmem>>)
    %dma_start3A_427 = arith.constant 11 : i32
    %dma_start3A_428 = arith.constant 1408 : i32
    %dma_start3A_429 = arith.constant 0 : i32
    %dma_start3A_430 = tpu.memref_slice %arg11[%dma_start3A_428, %dma_start3A_429] : memref<2048x16xf32, #tpu.memory_space<vmem>> -> memref<128x16xf32, #tpu.memory_space<vmem>>
    %dma_start3A_431 = arith.constant 0 : i32
    %dma_start3A_432 = tpu.memref_slice %arg10[%dma_start3A_427, %dma_start3A_431] : memref<16x128xi32, #tpu.memory_space<vmem>> -> memref<1x128xi32, #tpu.memory_space<vmem>>
    %dma_start3A_433 = tpu.memref_squeeze %dma_start3A_432 : memref<1x128xi32, #tpu.memory_space<vmem>> -> memref<128xi32, #tpu.memory_space<vmem>>
    %dma_start3A_434 = arith.constant 0 : i32
    %dma_start3A_435 = arith.constant 0 : i32
    %dma_start3A_436 = tpu.memref_slice %arg13[%dma_start3A_434, %dma_start3A_435] : memref<2048x16xf32, #tpu.memory_space<vmem_shared>> -> memref<2048x16xf32, #tpu.memory_space<vmem_shared>>
    tpu.enqueue_indirect_dma source(%dma_start3A_430 : memref<128x16xf32, #tpu.memory_space<vmem>>) target(%dma_start3A_436 : memref<2048x16xf32, #tpu.memory_space<vmem_shared>>) offsets(%dma_start3A_433 : memref<128xi32, #tpu.memory_space<vmem>>) semaphore(%arg16 : memref<!tpu.dma_semaphore, #tpu.memory_space<semaphore_mem>>) {add = true}
    %dma_wait3A_437 = arith.constant 12 : i32
    %dma_wait3A_438 = arith.constant 1536 : i32
    %dma_wait3A_439 = arith.constant 0 : i32
    %dma_wait3A_440 = tpu.memref_slice %arg11[%dma_wait3A_438, %dma_wait3A_439] : memref<2048x16xf32, #tpu.memory_space<vmem>> -> memref<128x16xf32, #tpu.memory_space<vmem>>
    %dma_wait3A_441 = arith.constant 0 : i32
    %dma_wait3A_442 = tpu.memref_slice %arg9[%dma_wait3A_437, %dma_wait3A_441] : memref<16x128xi32, #tpu.memory_space<vmem>> -> memref<1x128xi32, #tpu.memory_space<vmem>>
    %dma_wait3A_443 = tpu.memref_squeeze %dma_wait3A_442 : memref<1x128xi32, #tpu.memory_space<vmem>> -> memref<128xi32, #tpu.memory_space<vmem>>
    %dma_wait3A_444 = arith.constant 0 : i32
    %dma_wait3A_445 = arith.constant 0 : i32
    %dma_wait3A_446 = tpu.memref_slice %arg12[%dma_wait3A_444, %dma_wait3A_445] : memref<2048x16xf32, #tpu.memory_space<vmem_shared>> -> memref<2048x16xf32, #tpu.memory_space<vmem_shared>>
    tpu.wait_indirect_dma semaphore(%arg29 : memref<!tpu.dma_semaphore, #tpu.memory_space<semaphore_mem>>) src(%dma_wait3A_446 : memref<2048x16xf32, #tpu.memory_space<vmem_shared>>) dst(%dma_wait3A_440 : memref<128x16xf32, #tpu.memory_space<vmem>>)
    %dma_start3A_447 = arith.constant 12 : i32
    %dma_start3A_448 = arith.constant 1536 : i32
    %dma_start3A_449 = arith.constant 0 : i32
    %dma_start3A_450 = tpu.memref_slice %arg11[%dma_start3A_448, %dma_start3A_449] : memref<2048x16xf32, #tpu.memory_space<vmem>> -> memref<128x16xf32, #tpu.memory_space<vmem>>
    %dma_start3A_451 = arith.constant 0 : i32
    %dma_start3A_452 = tpu.memref_slice %arg10[%dma_start3A_447, %dma_start3A_451] : memref<16x128xi32, #tpu.memory_space<vmem>> -> memref<1x128xi32, #tpu.memory_space<vmem>>
    %dma_start3A_453 = tpu.memref_squeeze %dma_start3A_452 : memref<1x128xi32, #tpu.memory_space<vmem>> -> memref<128xi32, #tpu.memory_space<vmem>>
    %dma_start3A_454 = arith.constant 0 : i32
    %dma_start3A_455 = arith.constant 0 : i32
    %dma_start3A_456 = tpu.memref_slice %arg13[%dma_start3A_454, %dma_start3A_455] : memref<2048x16xf32, #tpu.memory_space<vmem_shared>> -> memref<2048x16xf32, #tpu.memory_space<vmem_shared>>
    tpu.enqueue_indirect_dma source(%dma_start3A_450 : memref<128x16xf32, #tpu.memory_space<vmem>>) target(%dma_start3A_456 : memref<2048x16xf32, #tpu.memory_space<vmem_shared>>) offsets(%dma_start3A_453 : memref<128xi32, #tpu.memory_space<vmem>>) semaphore(%arg16 : memref<!tpu.dma_semaphore, #tpu.memory_space<semaphore_mem>>) {add = true}
    %dma_wait3A_457 = arith.constant 13 : i32
    %dma_wait3A_458 = arith.constant 1664 : i32
    %dma_wait3A_459 = arith.constant 0 : i32
    %dma_wait3A_460 = tpu.memref_slice %arg11[%dma_wait3A_458, %dma_wait3A_459] : memref<2048x16xf32, #tpu.memory_space<vmem>> -> memref<128x16xf32, #tpu.memory_space<vmem>>
    %dma_wait3A_461 = arith.constant 0 : i32
    %dma_wait3A_462 = tpu.memref_slice %arg9[%dma_wait3A_457, %dma_wait3A_461] : memref<16x128xi32, #tpu.memory_space<vmem>> -> memref<1x128xi32, #tpu.memory_space<vmem>>
    %dma_wait3A_463 = tpu.memref_squeeze %dma_wait3A_462 : memref<1x128xi32, #tpu.memory_space<vmem>> -> memref<128xi32, #tpu.memory_space<vmem>>
    %dma_wait3A_464 = arith.constant 0 : i32
    %dma_wait3A_465 = arith.constant 0 : i32
    %dma_wait3A_466 = tpu.memref_slice %arg12[%dma_wait3A_464, %dma_wait3A_465] : memref<2048x16xf32, #tpu.memory_space<vmem_shared>> -> memref<2048x16xf32, #tpu.memory_space<vmem_shared>>
    tpu.wait_indirect_dma semaphore(%arg30 : memref<!tpu.dma_semaphore, #tpu.memory_space<semaphore_mem>>) src(%dma_wait3A_466 : memref<2048x16xf32, #tpu.memory_space<vmem_shared>>) dst(%dma_wait3A_460 : memref<128x16xf32, #tpu.memory_space<vmem>>)
    %dma_start3A_467 = arith.constant 13 : i32
    %dma_start3A_468 = arith.constant 1664 : i32
    %dma_start3A_469 = arith.constant 0 : i32
    %dma_start3A_470 = tpu.memref_slice %arg11[%dma_start3A_468, %dma_start3A_469] : memref<2048x16xf32, #tpu.memory_space<vmem>> -> memref<128x16xf32, #tpu.memory_space<vmem>>
    %dma_start3A_471 = arith.constant 0 : i32
    %dma_start3A_472 = tpu.memref_slice %arg10[%dma_start3A_467, %dma_start3A_471] : memref<16x128xi32, #tpu.memory_space<vmem>> -> memref<1x128xi32, #tpu.memory_space<vmem>>
    %dma_start3A_473 = tpu.memref_squeeze %dma_start3A_472 : memref<1x128xi32, #tpu.memory_space<vmem>> -> memref<128xi32, #tpu.memory_space<vmem>>
    %dma_start3A_474 = arith.constant 0 : i32
    %dma_start3A_475 = arith.constant 0 : i32
    %dma_start3A_476 = tpu.memref_slice %arg13[%dma_start3A_474, %dma_start3A_475] : memref<2048x16xf32, #tpu.memory_space<vmem_shared>> -> memref<2048x16xf32, #tpu.memory_space<vmem_shared>>
    tpu.enqueue_indirect_dma source(%dma_start3A_470 : memref<128x16xf32, #tpu.memory_space<vmem>>) target(%dma_start3A_476 : memref<2048x16xf32, #tpu.memory_space<vmem_shared>>) offsets(%dma_start3A_473 : memref<128xi32, #tpu.memory_space<vmem>>) semaphore(%arg16 : memref<!tpu.dma_semaphore, #tpu.memory_space<semaphore_mem>>) {add = true}
    %dma_wait3A_477 = arith.constant 14 : i32
    %dma_wait3A_478 = arith.constant 1792 : i32
    %dma_wait3A_479 = arith.constant 0 : i32
    %dma_wait3A_480 = tpu.memref_slice %arg11[%dma_wait3A_478, %dma_wait3A_479] : memref<2048x16xf32, #tpu.memory_space<vmem>> -> memref<128x16xf32, #tpu.memory_space<vmem>>
    %dma_wait3A_481 = arith.constant 0 : i32
    %dma_wait3A_482 = tpu.memref_slice %arg9[%dma_wait3A_477, %dma_wait3A_481] : memref<16x128xi32, #tpu.memory_space<vmem>> -> memref<1x128xi32, #tpu.memory_space<vmem>>
    %dma_wait3A_483 = tpu.memref_squeeze %dma_wait3A_482 : memref<1x128xi32, #tpu.memory_space<vmem>> -> memref<128xi32, #tpu.memory_space<vmem>>
    %dma_wait3A_484 = arith.constant 0 : i32
    %dma_wait3A_485 = arith.constant 0 : i32
    %dma_wait3A_486 = tpu.memref_slice %arg12[%dma_wait3A_484, %dma_wait3A_485] : memref<2048x16xf32, #tpu.memory_space<vmem_shared>> -> memref<2048x16xf32, #tpu.memory_space<vmem_shared>>
    tpu.wait_indirect_dma semaphore(%arg31 : memref<!tpu.dma_semaphore, #tpu.memory_space<semaphore_mem>>) src(%dma_wait3A_486 : memref<2048x16xf32, #tpu.memory_space<vmem_shared>>) dst(%dma_wait3A_480 : memref<128x16xf32, #tpu.memory_space<vmem>>)
    %dma_start3A_487 = arith.constant 14 : i32
    %dma_start3A_488 = arith.constant 1792 : i32
    %dma_start3A_489 = arith.constant 0 : i32
    %dma_start3A_490 = tpu.memref_slice %arg11[%dma_start3A_488, %dma_start3A_489] : memref<2048x16xf32, #tpu.memory_space<vmem>> -> memref<128x16xf32, #tpu.memory_space<vmem>>
    %dma_start3A_491 = arith.constant 0 : i32
    %dma_start3A_492 = tpu.memref_slice %arg10[%dma_start3A_487, %dma_start3A_491] : memref<16x128xi32, #tpu.memory_space<vmem>> -> memref<1x128xi32, #tpu.memory_space<vmem>>
    %dma_start3A_493 = tpu.memref_squeeze %dma_start3A_492 : memref<1x128xi32, #tpu.memory_space<vmem>> -> memref<128xi32, #tpu.memory_space<vmem>>
    %dma_start3A_494 = arith.constant 0 : i32
    %dma_start3A_495 = arith.constant 0 : i32
    %dma_start3A_496 = tpu.memref_slice %arg13[%dma_start3A_494, %dma_start3A_495] : memref<2048x16xf32, #tpu.memory_space<vmem_shared>> -> memref<2048x16xf32, #tpu.memory_space<vmem_shared>>
    tpu.enqueue_indirect_dma source(%dma_start3A_490 : memref<128x16xf32, #tpu.memory_space<vmem>>) target(%dma_start3A_496 : memref<2048x16xf32, #tpu.memory_space<vmem_shared>>) offsets(%dma_start3A_493 : memref<128xi32, #tpu.memory_space<vmem>>) semaphore(%arg16 : memref<!tpu.dma_semaphore, #tpu.memory_space<semaphore_mem>>) {add = true}
    %dma_wait3A_497 = arith.constant 15 : i32
    %dma_wait3A_498 = arith.constant 1920 : i32
    %dma_wait3A_499 = arith.constant 0 : i32
    %dma_wait3A_500 = tpu.memref_slice %arg11[%dma_wait3A_498, %dma_wait3A_499] : memref<2048x16xf32, #tpu.memory_space<vmem>> -> memref<128x16xf32, #tpu.memory_space<vmem>>
    %dma_wait3A_501 = arith.constant 0 : i32
    %dma_wait3A_502 = tpu.memref_slice %arg9[%dma_wait3A_497, %dma_wait3A_501] : memref<16x128xi32, #tpu.memory_space<vmem>> -> memref<1x128xi32, #tpu.memory_space<vmem>>
    %dma_wait3A_503 = tpu.memref_squeeze %dma_wait3A_502 : memref<1x128xi32, #tpu.memory_space<vmem>> -> memref<128xi32, #tpu.memory_space<vmem>>
    %dma_wait3A_504 = arith.constant 0 : i32
    %dma_wait3A_505 = arith.constant 0 : i32
    %dma_wait3A_506 = tpu.memref_slice %arg12[%dma_wait3A_504, %dma_wait3A_505] : memref<2048x16xf32, #tpu.memory_space<vmem_shared>> -> memref<2048x16xf32, #tpu.memory_space<vmem_shared>>
    tpu.wait_indirect_dma semaphore(%arg32 : memref<!tpu.dma_semaphore, #tpu.memory_space<semaphore_mem>>) src(%dma_wait3A_506 : memref<2048x16xf32, #tpu.memory_space<vmem_shared>>) dst(%dma_wait3A_500 : memref<128x16xf32, #tpu.memory_space<vmem>>)
    %dma_start3A_507 = arith.constant 15 : i32
    %dma_start3A_508 = arith.constant 1920 : i32
    %dma_start3A_509 = arith.constant 0 : i32
    %dma_start3A_510 = tpu.memref_slice %arg11[%dma_start3A_508, %dma_start3A_509] : memref<2048x16xf32, #tpu.memory_space<vmem>> -> memref<128x16xf32, #tpu.memory_space<vmem>>
    %dma_start3A_511 = arith.constant 0 : i32
    %dma_start3A_512 = tpu.memref_slice %arg10[%dma_start3A_507, %dma_start3A_511] : memref<16x128xi32, #tpu.memory_space<vmem>> -> memref<1x128xi32, #tpu.memory_space<vmem>>
    %dma_start3A_513 = tpu.memref_squeeze %dma_start3A_512 : memref<1x128xi32, #tpu.memory_space<vmem>> -> memref<128xi32, #tpu.memory_space<vmem>>
    %dma_start3A_514 = arith.constant 0 : i32
    %dma_start3A_515 = arith.constant 0 : i32
    %dma_start3A_516 = tpu.memref_slice %arg13[%dma_start3A_514, %dma_start3A_515] : memref<2048x16xf32, #tpu.memory_space<vmem_shared>> -> memref<2048x16xf32, #tpu.memory_space<vmem_shared>>
    tpu.enqueue_indirect_dma source(%dma_start3A_510 : memref<128x16xf32, #tpu.memory_space<vmem>>) target(%dma_start3A_516 : memref<2048x16xf32, #tpu.memory_space<vmem_shared>>) offsets(%dma_start3A_513 : memref<128xi32, #tpu.memory_space<vmem>>) semaphore(%arg16 : memref<!tpu.dma_semaphore, #tpu.memory_space<semaphore_mem>>) {add = true}
    %dma_wait3A_517 = arith.constant 0 : i32
    %dma_wait3A_518 = arith.constant 0 : i32
    %dma_wait3A_519 = arith.constant 0 : i32
    %dma_wait3A_520 = tpu.memref_slice %arg11[%dma_wait3A_518, %dma_wait3A_519] : memref<2048x16xf32, #tpu.memory_space<vmem>> -> memref<128x16xf32, #tpu.memory_space<vmem>>
    %dma_wait3A_521 = arith.constant 0 : i32
    %dma_wait3A_522 = tpu.memref_slice %arg10[%dma_wait3A_517, %dma_wait3A_521] : memref<16x128xi32, #tpu.memory_space<vmem>> -> memref<1x128xi32, #tpu.memory_space<vmem>>
    %dma_wait3A_523 = tpu.memref_squeeze %dma_wait3A_522 : memref<1x128xi32, #tpu.memory_space<vmem>> -> memref<128xi32, #tpu.memory_space<vmem>>
    %dma_wait3A_524 = arith.constant 0 : i32
    %dma_wait3A_525 = arith.constant 0 : i32
    %dma_wait3A_526 = tpu.memref_slice %arg13[%dma_wait3A_524, %dma_wait3A_525] : memref<2048x16xf32, #tpu.memory_space<vmem_shared>> -> memref<2048x16xf32, #tpu.memory_space<vmem_shared>>
    tpu.wait_indirect_dma semaphore(%arg16 : memref<!tpu.dma_semaphore, #tpu.memory_space<semaphore_mem>>) src(%dma_wait3A_520 : memref<128x16xf32, #tpu.memory_space<vmem>>) dst(%dma_wait3A_526 : memref<2048x16xf32, #tpu.memory_space<vmem_shared>>)
    %dma_wait3A_527 = arith.constant 1 : i32
    %dma_wait3A_528 = arith.constant 128 : i32
    %dma_wait3A_529 = arith.constant 0 : i32
    %dma_wait3A_530 = tpu.memref_slice %arg11[%dma_wait3A_528, %dma_wait3A_529] : memref<2048x16xf32, #tpu.memory_space<vmem>> -> memref<128x16xf32, #tpu.memory_space<vmem>>
    %dma_wait3A_531 = arith.constant 0 : i32
    %dma_wait3A_532 = tpu.memref_slice %arg10[%dma_wait3A_527, %dma_wait3A_531] : memref<16x128xi32, #tpu.memory_space<vmem>> -> memref<1x128xi32, #tpu.memory_space<vmem>>
    %dma_wait3A_533 = tpu.memref_squeeze %dma_wait3A_532 : memref<1x128xi32, #tpu.memory_space<vmem>> -> memref<128xi32, #tpu.memory_space<vmem>>
    %dma_wait3A_534 = arith.constant 0 : i32
    %dma_wait3A_535 = arith.constant 0 : i32
    %dma_wait3A_536 = tpu.memref_slice %arg13[%dma_wait3A_534, %dma_wait3A_535] : memref<2048x16xf32, #tpu.memory_space<vmem_shared>> -> memref<2048x16xf32, #tpu.memory_space<vmem_shared>>
    tpu.wait_indirect_dma semaphore(%arg16 : memref<!tpu.dma_semaphore, #tpu.memory_space<semaphore_mem>>) src(%dma_wait3A_530 : memref<128x16xf32, #tpu.memory_space<vmem>>) dst(%dma_wait3A_536 : memref<2048x16xf32, #tpu.memory_space<vmem_shared>>)
    %dma_wait3A_537 = arith.constant 2 : i32
    %dma_wait3A_538 = arith.constant 256 : i32
    %dma_wait3A_539 = arith.constant 0 : i32
    %dma_wait3A_540 = tpu.memref_slice %arg11[%dma_wait3A_538, %dma_wait3A_539] : memref<2048x16xf32, #tpu.memory_space<vmem>> -> memref<128x16xf32, #tpu.memory_space<vmem>>
    %dma_wait3A_541 = arith.constant 0 : i32
    %dma_wait3A_542 = tpu.memref_slice %arg10[%dma_wait3A_537, %dma_wait3A_541] : memref<16x128xi32, #tpu.memory_space<vmem>> -> memref<1x128xi32, #tpu.memory_space<vmem>>
    %dma_wait3A_543 = tpu.memref_squeeze %dma_wait3A_542 : memref<1x128xi32, #tpu.memory_space<vmem>> -> memref<128xi32, #tpu.memory_space<vmem>>
    %dma_wait3A_544 = arith.constant 0 : i32
    %dma_wait3A_545 = arith.constant 0 : i32
    %dma_wait3A_546 = tpu.memref_slice %arg13[%dma_wait3A_544, %dma_wait3A_545] : memref<2048x16xf32, #tpu.memory_space<vmem_shared>> -> memref<2048x16xf32, #tpu.memory_space<vmem_shared>>
    tpu.wait_indirect_dma semaphore(%arg16 : memref<!tpu.dma_semaphore, #tpu.memory_space<semaphore_mem>>) src(%dma_wait3A_540 : memref<128x16xf32, #tpu.memory_space<vmem>>) dst(%dma_wait3A_546 : memref<2048x16xf32, #tpu.memory_space<vmem_shared>>)
    %dma_wait3A_547 = arith.constant 3 : i32
    %dma_wait3A_548 = arith.constant 384 : i32
    %dma_wait3A_549 = arith.constant 0 : i32
    %dma_wait3A_550 = tpu.memref_slice %arg11[%dma_wait3A_548, %dma_wait3A_549] : memref<2048x16xf32, #tpu.memory_space<vmem>> -> memref<128x16xf32, #tpu.memory_space<vmem>>
    %dma_wait3A_551 = arith.constant 0 : i32
    %dma_wait3A_552 = tpu.memref_slice %arg10[%dma_wait3A_547, %dma_wait3A_551] : memref<16x128xi32, #tpu.memory_space<vmem>> -> memref<1x128xi32, #tpu.memory_space<vmem>>
    %dma_wait3A_553 = tpu.memref_squeeze %dma_wait3A_552 : memref<1x128xi32, #tpu.memory_space<vmem>> -> memref<128xi32, #tpu.memory_space<vmem>>
    %dma_wait3A_554 = arith.constant 0 : i32
    %dma_wait3A_555 = arith.constant 0 : i32
    %dma_wait3A_556 = tpu.memref_slice %arg13[%dma_wait3A_554, %dma_wait3A_555] : memref<2048x16xf32, #tpu.memory_space<vmem_shared>> -> memref<2048x16xf32, #tpu.memory_space<vmem_shared>>
    tpu.wait_indirect_dma semaphore(%arg16 : memref<!tpu.dma_semaphore, #tpu.memory_space<semaphore_mem>>) src(%dma_wait3A_550 : memref<128x16xf32, #tpu.memory_space<vmem>>) dst(%dma_wait3A_556 : memref<2048x16xf32, #tpu.memory_space<vmem_shared>>)
    %dma_wait3A_557 = arith.constant 4 : i32
    %dma_wait3A_558 = arith.constant 512 : i32
    %dma_wait3A_559 = arith.constant 0 : i32
    %dma_wait3A_560 = tpu.memref_slice %arg11[%dma_wait3A_558, %dma_wait3A_559] : memref<2048x16xf32, #tpu.memory_space<vmem>> -> memref<128x16xf32, #tpu.memory_space<vmem>>
    %dma_wait3A_561 = arith.constant 0 : i32
    %dma_wait3A_562 = tpu.memref_slice %arg10[%dma_wait3A_557, %dma_wait3A_561] : memref<16x128xi32, #tpu.memory_space<vmem>> -> memref<1x128xi32, #tpu.memory_space<vmem>>
    %dma_wait3A_563 = tpu.memref_squeeze %dma_wait3A_562 : memref<1x128xi32, #tpu.memory_space<vmem>> -> memref<128xi32, #tpu.memory_space<vmem>>
    %dma_wait3A_564 = arith.constant 0 : i32
    %dma_wait3A_565 = arith.constant 0 : i32
    %dma_wait3A_566 = tpu.memref_slice %arg13[%dma_wait3A_564, %dma_wait3A_565] : memref<2048x16xf32, #tpu.memory_space<vmem_shared>> -> memref<2048x16xf32, #tpu.memory_space<vmem_shared>>
    tpu.wait_indirect_dma semaphore(%arg16 : memref<!tpu.dma_semaphore, #tpu.memory_space<semaphore_mem>>) src(%dma_wait3A_560 : memref<128x16xf32, #tpu.memory_space<vmem>>) dst(%dma_wait3A_566 : memref<2048x16xf32, #tpu.memory_space<vmem_shared>>)
    %dma_wait3A_567 = arith.constant 5 : i32
    %dma_wait3A_568 = arith.constant 640 : i32
    %dma_wait3A_569 = arith.constant 0 : i32
    %dma_wait3A_570 = tpu.memref_slice %arg11[%dma_wait3A_568, %dma_wait3A_569] : memref<2048x16xf32, #tpu.memory_space<vmem>> -> memref<128x16xf32, #tpu.memory_space<vmem>>
    %dma_wait3A_571 = arith.constant 0 : i32
    %dma_wait3A_572 = tpu.memref_slice %arg10[%dma_wait3A_567, %dma_wait3A_571] : memref<16x128xi32, #tpu.memory_space<vmem>> -> memref<1x128xi32, #tpu.memory_space<vmem>>
    %dma_wait3A_573 = tpu.memref_squeeze %dma_wait3A_572 : memref<1x128xi32, #tpu.memory_space<vmem>> -> memref<128xi32, #tpu.memory_space<vmem>>
    %dma_wait3A_574 = arith.constant 0 : i32
    %dma_wait3A_575 = arith.constant 0 : i32
    %dma_wait3A_576 = tpu.memref_slice %arg13[%dma_wait3A_574, %dma_wait3A_575] : memref<2048x16xf32, #tpu.memory_space<vmem_shared>> -> memref<2048x16xf32, #tpu.memory_space<vmem_shared>>
    tpu.wait_indirect_dma semaphore(%arg16 : memref<!tpu.dma_semaphore, #tpu.memory_space<semaphore_mem>>) src(%dma_wait3A_570 : memref<128x16xf32, #tpu.memory_space<vmem>>) dst(%dma_wait3A_576 : memref<2048x16xf32, #tpu.memory_space<vmem_shared>>)
    %dma_wait3A_577 = arith.constant 6 : i32
    %dma_wait3A_578 = arith.constant 768 : i32
    %dma_wait3A_579 = arith.constant 0 : i32
    %dma_wait3A_580 = tpu.memref_slice %arg11[%dma_wait3A_578, %dma_wait3A_579] : memref<2048x16xf32, #tpu.memory_space<vmem>> -> memref<128x16xf32, #tpu.memory_space<vmem>>
    %dma_wait3A_581 = arith.constant 0 : i32
    %dma_wait3A_582 = tpu.memref_slice %arg10[%dma_wait3A_577, %dma_wait3A_581] : memref<16x128xi32, #tpu.memory_space<vmem>> -> memref<1x128xi32, #tpu.memory_space<vmem>>
    %dma_wait3A_583 = tpu.memref_squeeze %dma_wait3A_582 : memref<1x128xi32, #tpu.memory_space<vmem>> -> memref<128xi32, #tpu.memory_space<vmem>>
    %dma_wait3A_584 = arith.constant 0 : i32
    %dma_wait3A_585 = arith.constant 0 : i32
    %dma_wait3A_586 = tpu.memref_slice %arg13[%dma_wait3A_584, %dma_wait3A_585] : memref<2048x16xf32, #tpu.memory_space<vmem_shared>> -> memref<2048x16xf32, #tpu.memory_space<vmem_shared>>
    tpu.wait_indirect_dma semaphore(%arg16 : memref<!tpu.dma_semaphore, #tpu.memory_space<semaphore_mem>>) src(%dma_wait3A_580 : memref<128x16xf32, #tpu.memory_space<vmem>>) dst(%dma_wait3A_586 : memref<2048x16xf32, #tpu.memory_space<vmem_shared>>)
    %dma_wait3A_587 = arith.constant 7 : i32
    %dma_wait3A_588 = arith.constant 896 : i32
    %dma_wait3A_589 = arith.constant 0 : i32
    %dma_wait3A_590 = tpu.memref_slice %arg11[%dma_wait3A_588, %dma_wait3A_589] : memref<2048x16xf32, #tpu.memory_space<vmem>> -> memref<128x16xf32, #tpu.memory_space<vmem>>
    %dma_wait3A_591 = arith.constant 0 : i32
    %dma_wait3A_592 = tpu.memref_slice %arg10[%dma_wait3A_587, %dma_wait3A_591] : memref<16x128xi32, #tpu.memory_space<vmem>> -> memref<1x128xi32, #tpu.memory_space<vmem>>
    %dma_wait3A_593 = tpu.memref_squeeze %dma_wait3A_592 : memref<1x128xi32, #tpu.memory_space<vmem>> -> memref<128xi32, #tpu.memory_space<vmem>>
    %dma_wait3A_594 = arith.constant 0 : i32
    %dma_wait3A_595 = arith.constant 0 : i32
    %dma_wait3A_596 = tpu.memref_slice %arg13[%dma_wait3A_594, %dma_wait3A_595] : memref<2048x16xf32, #tpu.memory_space<vmem_shared>> -> memref<2048x16xf32, #tpu.memory_space<vmem_shared>>
    tpu.wait_indirect_dma semaphore(%arg16 : memref<!tpu.dma_semaphore, #tpu.memory_space<semaphore_mem>>) src(%dma_wait3A_590 : memref<128x16xf32, #tpu.memory_space<vmem>>) dst(%dma_wait3A_596 : memref<2048x16xf32, #tpu.memory_space<vmem_shared>>)
    %dma_wait3A_597 = arith.constant 8 : i32
    %dma_wait3A_598 = arith.constant 1024 : i32
    %dma_wait3A_599 = arith.constant 0 : i32
    %dma_wait3A_600 = tpu.memref_slice %arg11[%dma_wait3A_598, %dma_wait3A_599] : memref<2048x16xf32, #tpu.memory_space<vmem>> -> memref<128x16xf32, #tpu.memory_space<vmem>>
    %dma_wait3A_601 = arith.constant 0 : i32
    %dma_wait3A_602 = tpu.memref_slice %arg10[%dma_wait3A_597, %dma_wait3A_601] : memref<16x128xi32, #tpu.memory_space<vmem>> -> memref<1x128xi32, #tpu.memory_space<vmem>>
    %dma_wait3A_603 = tpu.memref_squeeze %dma_wait3A_602 : memref<1x128xi32, #tpu.memory_space<vmem>> -> memref<128xi32, #tpu.memory_space<vmem>>
    %dma_wait3A_604 = arith.constant 0 : i32
    %dma_wait3A_605 = arith.constant 0 : i32
    %dma_wait3A_606 = tpu.memref_slice %arg13[%dma_wait3A_604, %dma_wait3A_605] : memref<2048x16xf32, #tpu.memory_space<vmem_shared>> -> memref<2048x16xf32, #tpu.memory_space<vmem_shared>>
    tpu.wait_indirect_dma semaphore(%arg16 : memref<!tpu.dma_semaphore, #tpu.memory_space<semaphore_mem>>) src(%dma_wait3A_600 : memref<128x16xf32, #tpu.memory_space<vmem>>) dst(%dma_wait3A_606 : memref<2048x16xf32, #tpu.memory_space<vmem_shared>>)
    %dma_wait3A_607 = arith.constant 9 : i32
    %dma_wait3A_608 = arith.constant 1152 : i32
    %dma_wait3A_609 = arith.constant 0 : i32
    %dma_wait3A_610 = tpu.memref_slice %arg11[%dma_wait3A_608, %dma_wait3A_609] : memref<2048x16xf32, #tpu.memory_space<vmem>> -> memref<128x16xf32, #tpu.memory_space<vmem>>
    %dma_wait3A_611 = arith.constant 0 : i32
    %dma_wait3A_612 = tpu.memref_slice %arg10[%dma_wait3A_607, %dma_wait3A_611] : memref<16x128xi32, #tpu.memory_space<vmem>> -> memref<1x128xi32, #tpu.memory_space<vmem>>
    %dma_wait3A_613 = tpu.memref_squeeze %dma_wait3A_612 : memref<1x128xi32, #tpu.memory_space<vmem>> -> memref<128xi32, #tpu.memory_space<vmem>>
    %dma_wait3A_614 = arith.constant 0 : i32
    %dma_wait3A_615 = arith.constant 0 : i32
    %dma_wait3A_616 = tpu.memref_slice %arg13[%dma_wait3A_614, %dma_wait3A_615] : memref<2048x16xf32, #tpu.memory_space<vmem_shared>> -> memref<2048x16xf32, #tpu.memory_space<vmem_shared>>
    tpu.wait_indirect_dma semaphore(%arg16 : memref<!tpu.dma_semaphore, #tpu.memory_space<semaphore_mem>>) src(%dma_wait3A_610 : memref<128x16xf32, #tpu.memory_space<vmem>>) dst(%dma_wait3A_616 : memref<2048x16xf32, #tpu.memory_space<vmem_shared>>)
    %dma_wait3A_617 = arith.constant 10 : i32
    %dma_wait3A_618 = arith.constant 1280 : i32
    %dma_wait3A_619 = arith.constant 0 : i32
    %dma_wait3A_620 = tpu.memref_slice %arg11[%dma_wait3A_618, %dma_wait3A_619] : memref<2048x16xf32, #tpu.memory_space<vmem>> -> memref<128x16xf32, #tpu.memory_space<vmem>>
    %dma_wait3A_621 = arith.constant 0 : i32
    %dma_wait3A_622 = tpu.memref_slice %arg10[%dma_wait3A_617, %dma_wait3A_621] : memref<16x128xi32, #tpu.memory_space<vmem>> -> memref<1x128xi32, #tpu.memory_space<vmem>>
    %dma_wait3A_623 = tpu.memref_squeeze %dma_wait3A_622 : memref<1x128xi32, #tpu.memory_space<vmem>> -> memref<128xi32, #tpu.memory_space<vmem>>
    %dma_wait3A_624 = arith.constant 0 : i32
    %dma_wait3A_625 = arith.constant 0 : i32
    %dma_wait3A_626 = tpu.memref_slice %arg13[%dma_wait3A_624, %dma_wait3A_625] : memref<2048x16xf32, #tpu.memory_space<vmem_shared>> -> memref<2048x16xf32, #tpu.memory_space<vmem_shared>>
    tpu.wait_indirect_dma semaphore(%arg16 : memref<!tpu.dma_semaphore, #tpu.memory_space<semaphore_mem>>) src(%dma_wait3A_620 : memref<128x16xf32, #tpu.memory_space<vmem>>) dst(%dma_wait3A_626 : memref<2048x16xf32, #tpu.memory_space<vmem_shared>>)
    %dma_wait3A_627 = arith.constant 11 : i32
    %dma_wait3A_628 = arith.constant 1408 : i32
    %dma_wait3A_629 = arith.constant 0 : i32
    %dma_wait3A_630 = tpu.memref_slice %arg11[%dma_wait3A_628, %dma_wait3A_629] : memref<2048x16xf32, #tpu.memory_space<vmem>> -> memref<128x16xf32, #tpu.memory_space<vmem>>
    %dma_wait3A_631 = arith.constant 0 : i32
    %dma_wait3A_632 = tpu.memref_slice %arg10[%dma_wait3A_627, %dma_wait3A_631] : memref<16x128xi32, #tpu.memory_space<vmem>> -> memref<1x128xi32, #tpu.memory_space<vmem>>
    %dma_wait3A_633 = tpu.memref_squeeze %dma_wait3A_632 : memref<1x128xi32, #tpu.memory_space<vmem>> -> memref<128xi32, #tpu.memory_space<vmem>>
    %dma_wait3A_634 = arith.constant 0 : i32
    %dma_wait3A_635 = arith.constant 0 : i32
    %dma_wait3A_636 = tpu.memref_slice %arg13[%dma_wait3A_634, %dma_wait3A_635] : memref<2048x16xf32, #tpu.memory_space<vmem_shared>> -> memref<2048x16xf32, #tpu.memory_space<vmem_shared>>
    tpu.wait_indirect_dma semaphore(%arg16 : memref<!tpu.dma_semaphore, #tpu.memory_space<semaphore_mem>>) src(%dma_wait3A_630 : memref<128x16xf32, #tpu.memory_space<vmem>>) dst(%dma_wait3A_636 : memref<2048x16xf32, #tpu.memory_space<vmem_shared>>)
    %dma_wait3A_637 = arith.constant 12 : i32
    %dma_wait3A_638 = arith.constant 1536 : i32
    %dma_wait3A_639 = arith.constant 0 : i32
    %dma_wait3A_640 = tpu.memref_slice %arg11[%dma_wait3A_638, %dma_wait3A_639] : memref<2048x16xf32, #tpu.memory_space<vmem>> -> memref<128x16xf32, #tpu.memory_space<vmem>>
    %dma_wait3A_641 = arith.constant 0 : i32
    %dma_wait3A_642 = tpu.memref_slice %arg10[%dma_wait3A_637, %dma_wait3A_641] : memref<16x128xi32, #tpu.memory_space<vmem>> -> memref<1x128xi32, #tpu.memory_space<vmem>>
    %dma_wait3A_643 = tpu.memref_squeeze %dma_wait3A_642 : memref<1x128xi32, #tpu.memory_space<vmem>> -> memref<128xi32, #tpu.memory_space<vmem>>
    %dma_wait3A_644 = arith.constant 0 : i32
    %dma_wait3A_645 = arith.constant 0 : i32
    %dma_wait3A_646 = tpu.memref_slice %arg13[%dma_wait3A_644, %dma_wait3A_645] : memref<2048x16xf32, #tpu.memory_space<vmem_shared>> -> memref<2048x16xf32, #tpu.memory_space<vmem_shared>>
    tpu.wait_indirect_dma semaphore(%arg16 : memref<!tpu.dma_semaphore, #tpu.memory_space<semaphore_mem>>) src(%dma_wait3A_640 : memref<128x16xf32, #tpu.memory_space<vmem>>) dst(%dma_wait3A_646 : memref<2048x16xf32, #tpu.memory_space<vmem_shared>>)
    %dma_wait3A_647 = arith.constant 13 : i32
    %dma_wait3A_648 = arith.constant 1664 : i32
    %dma_wait3A_649 = arith.constant 0 : i32
    %dma_wait3A_650 = tpu.memref_slice %arg11[%dma_wait3A_648, %dma_wait3A_649] : memref<2048x16xf32, #tpu.memory_space<vmem>> -> memref<128x16xf32, #tpu.memory_space<vmem>>
    %dma_wait3A_651 = arith.constant 0 : i32
    %dma_wait3A_652 = tpu.memref_slice %arg10[%dma_wait3A_647, %dma_wait3A_651] : memref<16x128xi32, #tpu.memory_space<vmem>> -> memref<1x128xi32, #tpu.memory_space<vmem>>
    %dma_wait3A_653 = tpu.memref_squeeze %dma_wait3A_652 : memref<1x128xi32, #tpu.memory_space<vmem>> -> memref<128xi32, #tpu.memory_space<vmem>>
    %dma_wait3A_654 = arith.constant 0 : i32
    %dma_wait3A_655 = arith.constant 0 : i32
    %dma_wait3A_656 = tpu.memref_slice %arg13[%dma_wait3A_654, %dma_wait3A_655] : memref<2048x16xf32, #tpu.memory_space<vmem_shared>> -> memref<2048x16xf32, #tpu.memory_space<vmem_shared>>
    tpu.wait_indirect_dma semaphore(%arg16 : memref<!tpu.dma_semaphore, #tpu.memory_space<semaphore_mem>>) src(%dma_wait3A_650 : memref<128x16xf32, #tpu.memory_space<vmem>>) dst(%dma_wait3A_656 : memref<2048x16xf32, #tpu.memory_space<vmem_shared>>)
    %dma_wait3A_657 = arith.constant 14 : i32
    %dma_wait3A_658 = arith.constant 1792 : i32
    %dma_wait3A_659 = arith.constant 0 : i32
    %dma_wait3A_660 = tpu.memref_slice %arg11[%dma_wait3A_658, %dma_wait3A_659] : memref<2048x16xf32, #tpu.memory_space<vmem>> -> memref<128x16xf32, #tpu.memory_space<vmem>>
    %dma_wait3A_661 = arith.constant 0 : i32
    %dma_wait3A_662 = tpu.memref_slice %arg10[%dma_wait3A_657, %dma_wait3A_661] : memref<16x128xi32, #tpu.memory_space<vmem>> -> memref<1x128xi32, #tpu.memory_space<vmem>>
    %dma_wait3A_663 = tpu.memref_squeeze %dma_wait3A_662 : memref<1x128xi32, #tpu.memory_space<vmem>> -> memref<128xi32, #tpu.memory_space<vmem>>
    %dma_wait3A_664 = arith.constant 0 : i32
    %dma_wait3A_665 = arith.constant 0 : i32
    %dma_wait3A_666 = tpu.memref_slice %arg13[%dma_wait3A_664, %dma_wait3A_665] : memref<2048x16xf32, #tpu.memory_space<vmem_shared>> -> memref<2048x16xf32, #tpu.memory_space<vmem_shared>>
    tpu.wait_indirect_dma semaphore(%arg16 : memref<!tpu.dma_semaphore, #tpu.memory_space<semaphore_mem>>) src(%dma_wait3A_660 : memref<128x16xf32, #tpu.memory_space<vmem>>) dst(%dma_wait3A_666 : memref<2048x16xf32, #tpu.memory_space<vmem_shared>>)
    %dma_wait3A_667 = arith.constant 15 : i32
    %dma_wait3A_668 = arith.constant 1920 : i32
    %dma_wait3A_669 = arith.constant 0 : i32
    %dma_wait3A_670 = tpu.memref_slice %arg11[%dma_wait3A_668, %dma_wait3A_669] : memref<2048x16xf32, #tpu.memory_space<vmem>> -> memref<128x16xf32, #tpu.memory_space<vmem>>
    %dma_wait3A_671 = arith.constant 0 : i32
    %dma_wait3A_672 = tpu.memref_slice %arg10[%dma_wait3A_667, %dma_wait3A_671] : memref<16x128xi32, #tpu.memory_space<vmem>> -> memref<1x128xi32, #tpu.memory_space<vmem>>
    %dma_wait3A_673 = tpu.memref_squeeze %dma_wait3A_672 : memref<1x128xi32, #tpu.memory_space<vmem>> -> memref<128xi32, #tpu.memory_space<vmem>>
    %dma_wait3A_674 = arith.constant 0 : i32
    %dma_wait3A_675 = arith.constant 0 : i32
    %dma_wait3A_676 = tpu.memref_slice %arg13[%dma_wait3A_674, %dma_wait3A_675] : memref<2048x16xf32, #tpu.memory_space<vmem_shared>> -> memref<2048x16xf32, #tpu.memory_space<vmem_shared>>
    tpu.wait_indirect_dma semaphore(%arg16 : memref<!tpu.dma_semaphore, #tpu.memory_space<semaphore_mem>>) src(%dma_wait3A_670 : memref<128x16xf32, #tpu.memory_space<vmem>>) dst(%dma_wait3A_676 : memref<2048x16xf32, #tpu.memory_space<vmem_shared>>)
    %barrier3A_677 = arith.constant 0 : index
    tpu.barrier barrier_id(%barrier3A_677)
    "tpu.region"() ({
      %run_scoped3A = tpu.sem_alloc : memref<!tpu.dma_semaphore, #tpu.memory_space<semaphore_mem>>
      %dma_start3A_678 = arith.constant 0 : i32
      %dma_start3A_679 = tpu.memref_slice %arg6[%mul3A_2, %dma_start3A_678] : memref<2048x128xf32, #tpu.memory_space<hbm>> -> memref<128x16xf32, #tpu.memory_space<hbm>>
      %dma_start3A_680 = arith.constant 0 : i32
      %dma_start3A_681 = tpu.memref_slice %arg13[%mul3A_2, %dma_start3A_680] : memref<2048x16xf32, #tpu.memory_space<vmem_shared>> -> memref<128x16xf32, #tpu.memory_space<vmem_shared>>
      tpu.enqueue_dma source(%dma_start3A_681 : memref<128x16xf32, #tpu.memory_space<vmem_shared>>) target(%dma_start3A_679 : memref<128x16xf32, #tpu.memory_space<hbm>>) target_semaphore(%run_scoped3A : memref<!tpu.dma_semaphore, #tpu.memory_space<semaphore_mem>>)
      %dma_wait3A_682 = arith.constant 0 : i32
      %dma_wait3A_683 = tpu.memref_slice %arg6[%mul3A_2, %dma_wait3A_682] : memref<2048x128xf32, #tpu.memory_space<hbm>> -> memref<128x16xf32, #tpu.memory_space<hbm>>
      %dma_wait3A_684 = arith.constant 0 : i32
      %dma_wait3A_685 = tpu.memref_slice %arg13[%mul3A_2, %dma_wait3A_684] : memref<2048x16xf32, #tpu.memory_space<vmem_shared>> -> memref<128x16xf32, #tpu.memory_space<vmem_shared>>
      tpu.wait_dma2 semaphore(%run_scoped3A : memref<!tpu.dma_semaphore, #tpu.memory_space<semaphore_mem>>) src(%dma_wait3A_685 : memref<128x16xf32, #tpu.memory_space<vmem_shared>>) dst(%dma_wait3A_683 : memref<128x16xf32, #tpu.memory_space<hbm>>)
      tpu.yield
    }) : () -> ()
    return
  }
}

module attributes {stable_mosaic.version = 14 : i64} {
  func.func @_tc_body(%arg0: i32, %arg1: memref<2048x128xf32, #tpu.memory_space<vmem>>, %arg2: memref<16x16xf32, #tpu.memory_space<vmem>>, %arg3: memref<1x16xf32, #tpu.memory_space<vmem>>, %arg4: memref<16x16xf32, #tpu.memory_space<vmem>>, %arg5: memref<1x16xf32, #tpu.memory_space<vmem>>, %arg6: memref<1x1048576xf32, #tpu.memory_space<vmem>>, %arg7: memref<2048x16xf32, #tpu.memory_space<vmem>>) attributes {dimension_semantics = [#tpu.dimension_semantics<arbitrary>], iteration_bounds = array<i64: 5>, scalar_prefetch = 0 : i64, scratch_operands = 1 : i64, tpu.core_type = #tpu.core_type<tc>, window_params = [{pipeline_mode = #tpu.pipeline_mode<synchronous>, transform_indices = @transform_0, window_bounds = array<i64: 2048, 128>}, {pipeline_mode = #tpu.pipeline_mode<synchronous>, transform_indices = @transform_1, window_bounds = array<i64: 16, 16>}, {pipeline_mode = #tpu.pipeline_mode<synchronous>, transform_indices = @transform_2, window_bounds = array<i64: 1, 16>}, {pipeline_mode = #tpu.pipeline_mode<synchronous>, transform_indices = @transform_3, window_bounds = array<i64: 16, 16>}, {pipeline_mode = #tpu.pipeline_mode<synchronous>, transform_indices = @transform_4, window_bounds = array<i64: 1, 16>}, {transform_indices = @transform_5, window_bounds = array<i64: 1, 1048576>}]} {
    %eq3A = arith.constant 0 : i32
    %eq3A_0 = arith.cmpi eq, %arg0, %eq3A : i32
    %convert_element_type3A = arith.extui %eq3A_0 : i1 to i32
    %cond3A = arith.constant 0 : i32
    %cond3A_1 = arith.cmpi ne, %convert_element_type3A, %cond3A : i32
    scf.if %cond3A_1 {
      %get3A = arith.constant 0 : index
      %get3A_11 = arith.constant 0 : index
      %get3A_12 = vector.load %arg1[%get3A, %get3A_11] : memref<2048x128xf32, #tpu.memory_space<vmem>>, vector<2048x16xf32>
      %get3A_13 = arith.constant 0 : index
      %get3A_14 = arith.constant 0 : index
      %get3A_15 = vector.load %arg2[%get3A_13, %get3A_14] : memref<16x16xf32, #tpu.memory_space<vmem>>, vector<16x16xf32>
      %dot_general3A = arith.constant dense<0.000000e+00> : vector<2048x16xf32>
      %dot_general3A_16 = tpu.matmul %get3A_12, %get3A_15, %dot_general3A {dimension_numbers = #tpu.dot_dimension_numbers<[1], [1], [0], [0], [0, 0, 1, 0], [], []>, transpose_lhs_hint = false} : vector<2048x16xf32>, vector<16x16xf32>, vector<2048x16xf32> -> vector<2048x16xf32>
      %get3A_17 = arith.constant 0 : index
      %get3A_18 = arith.constant 0 : index
      %get3A_19 = vector.load %arg3[%get3A_17, %get3A_18] : memref<1x16xf32, #tpu.memory_space<vmem>>, vector<1x16xf32>
      %add3A = vector.broadcast %get3A_19 : vector<1x16xf32> to vector<2048x16xf32>
      %add3A_20 = arith.addf %dot_general3A_16, %add3A : vector<2048x16xf32>
      %swap3A = arith.constant 0 : index
      %swap3A_21 = arith.constant 0 : index
      %swap3A_22 = vector.load %arg7[%swap3A, %swap3A_21] : memref<2048x16xf32, #tpu.memory_space<vmem>>, vector<2048x16xf32>
      tpu.vector_store %arg7[%swap3A, %swap3A_21], %add3A_20 {strides = array<i32>} : memref<2048x16xf32, #tpu.memory_space<vmem>>, vector<2048x16xf32>,
    } else {
    }
    %lt3A = arith.constant 4 : i32
    %lt3A_2 = arith.cmpi slt, %arg0, %lt3A : i32
    %convert_element_type3A_3 = arith.extui %lt3A_2 : i1 to i32
    %cond3A_4 = arith.constant 0 : i32
    %cond3A_5 = arith.cmpi ne, %convert_element_type3A_3, %cond3A_4 : i32
    scf.if %cond3A_5 {
      %get3A = arith.constant 0 : index
      %get3A_11 = arith.constant 0 : index
      %get3A_12 = vector.load %arg7[%get3A, %get3A_11] : memref<2048x16xf32, #tpu.memory_space<vmem>>, vector<2048x16xf32>
      %mul3A = arith.constant 512 : i32
      %mul3A_13 = arith.muli %arg0, %mul3A : i32
      %get3A_14 = arith.index_cast %mul3A_13 : i32 to index
      %get3A_15 = arith.constant 0 : index
      %get3A_16 = vector.load %arg7[%get3A_14, %get3A_15] : memref<2048x16xf32, #tpu.memory_space<vmem>>, vector<512x16xf32>
      %dot_general3A = arith.constant dense<0.000000e+00> : vector<512x2048xf32>
      %dot_general3A_17 = tpu.matmul %get3A_16, %get3A_12, %dot_general3A {dimension_numbers = #tpu.dot_dimension_numbers<[1], [1], [0], [0], [0, 0, 1, 0], [], []>, transpose_lhs_hint = false} : vector<512x16xf32>, vector<2048x16xf32>, vector<512x2048xf32> -> vector<512x2048xf32>
      %reshape3A = vector.shape_cast %dot_general3A_17 : vector<512x2048xf32> to vector<1x1048576xf32>
      %swap3A = arith.constant 0 : index
      %swap3A_18 = arith.constant 0 : index
      %swap3A_19 = vector.load %arg6[%swap3A, %swap3A_18] : memref<1x1048576xf32, #tpu.memory_space<vmem>>, vector<1x1048576xf32>
      tpu.vector_store %arg6[%swap3A, %swap3A_18], %reshape3A {strides = array<i32>} : memref<1x1048576xf32, #tpu.memory_space<vmem>>, vector<1x1048576xf32>,
    } else {
    }
    %eq3A_6 = arith.constant 4 : i32
    %eq3A_7 = arith.cmpi eq, %arg0, %eq3A_6 : i32
    %convert_element_type3A_8 = arith.extui %eq3A_7 : i1 to i32
    %cond3A_9 = arith.constant 0 : i32
    %cond3A_10 = arith.cmpi ne, %convert_element_type3A_8, %cond3A_9 : i32
    scf.if %cond3A_10 {
      %get3A = arith.constant 0 : index
      %get3A_11 = arith.constant 0 : index
      %get3A_12 = vector.load %arg1[%get3A, %get3A_11] : memref<2048x128xf32, #tpu.memory_space<vmem>>, vector<1x16xf32>
      %get3A_13 = arith.constant 0 : index
      %get3A_14 = arith.constant 0 : index
      %get3A_15 = vector.load %arg4[%get3A_13, %get3A_14] : memref<16x16xf32, #tpu.memory_space<vmem>>, vector<16x16xf32>
      %dot_general3A = arith.constant dense<0.000000e+00> : vector<1x16xf32>
      %dot_general3A_16 = tpu.matmul %get3A_12, %get3A_15, %dot_general3A {dimension_numbers = #tpu.dot_dimension_numbers<[1], [1], [0], [0], [0, 0, 1, 0], [], []>, transpose_lhs_hint = false} : vector<1x16xf32>, vector<16x16xf32>, vector<1x16xf32> -> vector<1x16xf32>
      %get3A_17 = arith.constant 0 : index
      %get3A_18 = arith.constant 0 : index
      %get3A_19 = vector.load %arg5[%get3A_17, %get3A_18] : memref<1x16xf32, #tpu.memory_space<vmem>>, vector<1x16xf32>
      %add3A = arith.addf %dot_general3A_16, %get3A_19 : vector<1x16xf32>
      %reduce_sum3A = arith.constant dense<0.000000e+00> : vector<1xf32>
      %reduce_sum3A_20 = vector.multi_reduction <add>, %add3A, %reduce_sum3A [1] : vector<1x16xf32> to vector<1xf32>
      %broadcast_in_dim3A = vector.shape_cast %reduce_sum3A_20 : vector<1xf32> to vector<1x1xf32>
      %div3A = arith.constant 1.600000e+01 : f32
      %div3A_21 = vector.broadcast %div3A : f32 to vector<1x1xf32>
      %div3A_22 = arith.divf %broadcast_in_dim3A, %div3A_21 : vector<1x1xf32>
      %broadcast_in_dim3A_23 = vector.shape_cast %div3A_22 : vector<1x1xf32> to vector<1x1xf32>
      %broadcast_in_dim3A_24 = vector.broadcast %broadcast_in_dim3A_23 : vector<1x1xf32> to vector<1x1048576xf32>
      %swap3A = arith.constant 0 : index
      %swap3A_25 = arith.constant 0 : index
      %swap3A_26 = vector.load %arg6[%swap3A, %swap3A_25] : memref<1x1048576xf32, #tpu.memory_space<vmem>>, vector<1x1048576xf32>
      tpu.vector_store %arg6[%swap3A, %swap3A_25], %broadcast_in_dim3A_24 {strides = array<i32>} : memref<1x1048576xf32, #tpu.memory_space<vmem>>, vector<1x1048576xf32>,
    } else {
    }
    return
  }
  func.func @transform_0(%arg0: i32) -> (i32, i32) {
    %c0_i32 = arith.constant 0 : i32
    %c0_i32_0 = arith.constant 0 : i32
    %c0_i32_1 = arith.constant 0 : i32
    return %c0_i32, %c0_i32_0 : i32, i32
  }
  func.func @transform_1(%arg0: i32) -> (i32, i32) {
    %c0_i32 = arith.constant 0 : i32
    %c0_i32_0 = arith.constant 0 : i32
    %c0_i32_1 = arith.constant 0 : i32
    return %c0_i32, %c0_i32_0 : i32, i32
  }
  func.func @transform_2(%arg0: i32) -> (i32, i32) {
    %c0_i32 = arith.constant 0 : i32
    %c0_i32_0 = arith.constant 0 : i32
    %c0_i32_1 = arith.constant 0 : i32
    return %c0_i32, %c0_i32_0 : i32, i32
  }
  func.func @transform_3(%arg0: i32) -> (i32, i32) {
    %c0_i32 = arith.constant 0 : i32
    %c0_i32_0 = arith.constant 0 : i32
    %c0_i32_1 = arith.constant 0 : i32
    return %c0_i32, %c0_i32_0 : i32, i32
  }
  func.func @transform_4(%arg0: i32) -> (i32, i32) {
    %c0_i32 = arith.constant 0 : i32
    %c0_i32_0 = arith.constant 0 : i32
    %c0_i32_1 = arith.constant 0 : i32
    return %c0_i32, %c0_i32_0 : i32, i32
  }
  func.func @transform_5(%arg0: i32) -> (i32, i32) {
    %c0_i32 = arith.constant 0 : i32
    %c0_i32_0 = arith.constant 0 : i32
    return %c0_i32, %arg0 : i32, i32
  }
}

</mosaic_0001>

<sc_bundles>
// kernel: kernel.4.cloned.1.call-start
scs
__scs_entry_jumppad:
0x0: {  	(pc) =	sbr.rel $0x88, $3  }
0x1: {  	(tag) =	ssettag $0x0;
	lr =	simm.s32 $0x1  }
0x2: {  	[smem:$0x3F9A] =	sst lr;
	_ =	strace $0xD0000000  }
0x3: {  	_ = 	snop  }
0x4: {  	_ = 	snop  }
0x5: {  	_ = 	snop  }
0x6: {  	_ = 	snop  }
0x7: {  	_ = 	snop  }
__scs_overlays_trampoline_lowered:
0x8: {  	[smem:$0x3FA9] =	sst s0  }
0x9: {  	[smem:$0x3FAA] =	sst s1  }
0xa: {  	[smem:$0x3FAB] =	sst s2  }
0xb: {  	[smem:$0x3FAC] =	sst s3  }
0xc: {  	[smem:$0x3FAD] =	sst s4  }
0xd: {  	[smem:$0x3FAE] =	sst s5  }
0xe: {  	[smem:$0x3FAF] =	sst s6  }
0xf: {  	[smem:$0x3FB0] =	sst s7  }
0x10: {  	[smem:$0x3FB1] =	sst s8  }
0x11: {  	[smem:$0x3FB2] =	sst s9;
	s0 =	simm.s32 @!p0 $0x0  }
0x12: {  	s1 =	sld [smem:$0x3F98];
	s0 =	simm.s32 @p0 $0x1  }
0x13: {  	[smem:$0x3FB3] =	sst s0;
	s0 =	simm.s32 @!p1 $0x0  }
0x14: {  	s2 =	sld [smem:$0x3F97];
	s0 =	simm.s32 @p1 $0x1  }
0x15: {  	[smem:$0x3FB4] =	sst s0;
	s0 =	simm.s32 @!p2 $0x0  }
0x16: {  	s3 =	sld [smem:$0x3FDB];
	s0 =	simm.s32 @p2 $0x1  }
0x17: {  	s4 =	simm.s32 $0x1BF5;
	[smem:$0x3FB6] =	sst s0  }
0x18: {  	s0 =	sld [smem:$0x3F99];
	_ =	swait.ge [sflag:s4], $0x0  }
0x19: {  	s7 =	sld [smem:$0x3F9A]  }
0x1a: {  	s8 =	sadd.s32 $0xFFFFE003, lr  }
0x1b: {  	s9 =	sadd.s32 $0xFFFFFEF7, lr;
	s5 =	simm.s32 $0xFFFFFFFF;
	p2 =	slt.u32 s8, $0xFFFFF086  }
0x1c: {  	p1 =	slt.u32 s9, $0xF7A;
	s5 =	simm.s32 @!p2 $0x0  }
0x1d: {  	s5 =	simm.s32 @p1 $0x1;
	p0 =	seq.s32 s7, s2  }
0x1e: {  	s7 =	smul.u32 @!p0 $0xF7A, s2;
	p2 =	seq.s32 @!p0 s5, $0x0  }
0x1f: {  	s9 =	smul.u32 $0xF7A, s1;
	s8 =	simm.s32 @!p0 $0x1BF5;
	p2 =	por !p2, p0  }
0x20: {  	[sflag:s8] =	ssyncset.s32 @!p0 $0xFFFFF086;
	s6 =	sadd.s32 @!p0 s3, s7;
	s7 =	simm.s32 @!p0 $0x108  }
0x21: {  	s3 =	sadd.s32 s3, s9;
	s6 =	sadd.s32 @!p0 $0x88, s6;
	s7 =	simm.s32 @p2 $0x1082  }
0x22: {  	[simem:s7], [sflag:s8] =	dma.local @!p0 [hbm:s6], $0xF7A  }
0x23: {  	s9 =	sor.u32 $0xD0000000, s2;
	s6 =	simm.s32 $0x108;
	_ =	swait.ge @!p0 [sflag:s8], $0x0  }
0x24: {  	s3 =	sadd.s32 $0x88, s3;
	s6 =	simm.s32 @!p1 $0x1082;
	[sflag:s4] =	ssyncset.s32 $0xFFFFF086  }
0x25: {  	[simem:s6], [sflag:s4] =	dma.local [hbm:s3], $0xF7A  }
0x26: {  	[smem:$0x3F9A] =	sst s1;
	(tag) =	ssettag s2;
	_ =	strace s9  }
0x27: {  	s1 =	sld [smem:$0x3FAA]  }
0x28: {  	s2 =	sld [smem:$0x3FAB]  }
0x29: {  	s4 =	sld [smem:$0x3FAD]  }
0x2a: {  	p0 =	seq.s32 s5, $0x0;
	s5 =	sld [smem:$0x3FAE]  }
0x2b: {  	s6 =	sld [smem:$0x3FAF]  }
0x2c: {  	s7 =	sld [smem:$0x3FB0]  }
0x2d: {  	s3 =	simm.s32 $0x108;
	s8 =	sld [smem:$0x3FB1]  }
0x2e: {  	s3 =	simm.s32 @!p0 $0x1082;
	s9 =	sld [smem:$0x3FB2]  }
0x2f: {  	lr =	sadd.s32 s0, s3;
	s0 =	sld [smem:$0x3FA9]  }
0x30: {  	s3 =	sld [smem:$0x3FAC]  }
0x31: {  	[smem:$0x3FB5] =	sst s10  }
0x32: {  	s10 =	sld [smem:$0x3FB3];
	_ =	sdelay $0x3  }
0x33: {  	p0 =	seq.s32 s10, $0x1;
	s10 =	sld [smem:$0x3FB5];
	_ =	sdelay $0x3  }
0x34: {  	[smem:$0x3FB5] =	sst s10  }
0x35: {  	s10 =	sld [smem:$0x3FB4];
	_ =	sdelay $0x3  }
0x36: {  	p1 =	seq.s32 s10, $0x1;
	s10 =	sld [smem:$0x3FB5];
	_ =	sdelay $0x3  }
0x37: {  	[smem:$0x3FB5] =	sst s10  }
0x38: {  	s10 =	sld [smem:$0x3FB6]  }
0x39: {  	_ = 	snop;
	(pc) =	sbr.ind lr, $3  }
0x3a: {  	_ = 	snop  }
0x3b: {  	_ = 	snop  }
0x3c: {  	p2 =	seq.s32 s10, $0x1;
	s10 =	sld [smem:$0x3FB5]  }
0x3d: {  	_ =	shalt  }
0x3e: {  	_ =	shalt  }
0x3f: {  	_ =	shalt  }
0x40: {  	_ =	shalt  }
0x41: {  	_ =	shalt  }
0x42: {  	_ =	shalt  }
0x43: {  	_ =	shalt  }
0x44: {  	_ =	shalt  }
0x45: {  	_ =	shalt  }
0x46: {  	_ =	shalt  }
0x47: {  	_ =	shalt  }
0x48: {  	_ =	shalt  }
0x49: {  	_ =	shalt  }
0x4a: {  	_ =	shalt  }
0x4b: {  	_ =	shalt  }
0x4c: {  	_ =	shalt  }
0x4d: {  	_ =	shalt  }
0x4e: {  	_ =	shalt  }
0x4f: {  	_ =	shalt  }
0x50: {  	_ =	shalt  }
0x51: {  	_ =	shalt  }
0x52: {  	_ =	shalt  }
0x53: {  	_ =	shalt  }
0x54: {  	_ =	shalt  }
0x55: {  	_ =	shalt  }
0x56: {  	_ =	shalt  }
0x57: {  	_ =	shalt  }
0x58: {  	_ =	shalt  }
0x59: {  	_ =	shalt  }
0x5a: {  	_ =	shalt  }
0x5b: {  	_ =	shalt  }
0x5c: {  	_ =	shalt  }
0x5d: {  	_ =	shalt  }
0x5e: {  	_ =	shalt  }
0x5f: {  	_ =	shalt  }
0x60: {  	_ =	shalt  }
0x61: {  	_ =	shalt  }
0x62: {  	_ =	shalt  }
0x63: {  	_ =	shalt  }
0x64: {  	_ =	shalt  }
0x65: {  	_ =	shalt  }
0x66: {  	_ =	shalt  }
0x67: {  	_ =	shalt  }
0x68: {  	_ =	shalt  }
0x69: {  	_ =	shalt  }
0x6a: {  	_ =	shalt  }
0x6b: {  	_ =	shalt  }
0x6c: {  	_ =	shalt  }
0x6d: {  	_ =	shalt  }
0x6e: {  	_ =	shalt  }
0x6f: {  	_ =	shalt  }
0x70: {  	_ =	shalt  }
0x71: {  	_ =	shalt  }
0x72: {  	_ =	shalt  }
0x73: {  	_ =	shalt  }
0x74: {  	_ =	shalt  }
0x75: {  	_ =	shalt  }
0x76: {  	_ =	shalt  }
0x77: {  	_ =	shalt  }
0x78: {  	_ =	shalt  }
0x79: {  	_ =	shalt  }
0x7a: {  	_ =	shalt  }
0x7b: {  	_ =	shalt  }
0x7c: {  	_ =	shalt  }
0x7d: {  	_ =	shalt  }
0x7e: {  	_ =	shalt  }
0x7f: {  	_ =	shalt  }
0x80: {  	_ =	shalt  }
0x81: {  	_ =	shalt  }
0x82: {  	_ =	shalt  }
0x83: {  	_ =	shalt  }
0x84: {  	_ =	shalt  }
0x85: {  	_ =	shalt  }
0x86: {  	_ =	shalt  }
0x87: {  	_ =	shalt  }
.Lfunc_end0:
.L_simem_size_0:
called_computation_lowered:
.L_overlay_start_0:
0x88: {  	s0 =	sld [smem:$0x3FD9]  }
0x89: {  	s1 =	sld [smem:$0x3FFE];
	_ =	sdelay $0x3  }
0x8a: {  	s0 =	sadd.s32 s1, s0  }
0x8b: {  	[smem:$0x3FC1] =	sst s0  }
0x8c: {  	_ = 	snop  }
0x8d: {  	s0 =	sld [smem:$0x3FC9]  }
0x8e: {  	s16 =	sld [smem:$0x3FD0];
	(tm) =	ssettm $0x1  }
0x8f: {  	s2 =	sld [smem:$0x3FFB];
	_ =	sdelay $0x3  }
0x90: {  	_ =	strace s2  }
0x91: {  	s2 =	sld [smem:$0x3FFC];
	_ =	sdelay $0x3  }
0x92: {  	_ =	strace s2  }
0x93: {  	s2 =	sld [smem:$0x3FFD];
	_ =	sdelay $0x3  }
0x94: {  	_ =	strace s2  }
0x95: {  	_ =	strace $0x8FFFFFFF  }
0x96: {  	s17 =	sld [smem:$0x3FDB];
	_ =	sdelay $0x1  }
0x97: {  	s3 =	simm.s32 $_scs_section_size  }
0x98: {  	s4 =	simm.s32 $_size__tile_overlayer_lowered;
	s5 =	simm.s32 $_tile_overlayer_lowered  }
0x99: {  	s20 =	simm.s32 $0x1BFF;
	s19 =	sshll.u32 s5, $0x1;
	s2 =	sadd.s32 s3, s17  }
0x9a: {  	s6 =	simm.s32 $0x0;
	s18 =	sshll.u32 s4, $0x1;
	s4 =	sadd.s32 s19, s2  }
0x9b: {  	[timem:s6], [sflag:s20] =	dma.local [hbm:s4], s18  }
0x9c: {  	_ =	swait.ge [sflag:s20], s18  }
0x9d: {  	s3 =	ssub.s32 $0x0, s18;
	[sflag:s20] =	ssyncset.done $0x0  }
0x9e: {  	[sflag:s20] =	ssyncadd.s32 s3;
	_ =	sdelay $0x1  }
0x9f: {  	s21 =	simm.s32 $0x1B8B  }
0xa0: {  	_ =	swait.ge [sflag:s21], $0x1  }
0xa1: {  	[sflag:s21] =	ssyncset.done $0x0  }
0xa2: {  	s23 =	simm.s32 $0x1B8E;
	s22 =	sld [smem:$0x3FFE];
	[sflag:s21] =	ssyncadd.s32 $0xFFFFFFFF  }
0xa3: {  	s24 =	simm.s32 $execute0_lowered;
	[smem:$0x3FD2] =	sst s23  }
0xa4: {  	s4 =	sshll.u32 s24, $0x1;
	_ =	strace $0x80000046;
	[dreg:$0x1] =	wrdreg $0xFFFFFFFF  }
0xa5: {  	s25 =	simm.s32 $_size_execute0_lowered;
	s2 =	sadd.s32 s2, s4;
	[dreg:$0x0] =	wrdreg $0x0  }
0xa6: {  	s4 =	sshll.u32 s25, $0x1;
	[dreg:$0x2] =	wrdreg s2  }
0xa7: {  	[dreg:$0x3] =	wrdreg s4  }
0xa8: {  	[dreg:$0x4] =	wrdreg $0xC0  }
0xa9: {  	_ =	task [dreg:s6], $0x5FFFF  }
0xaa: {  	[dreg:$0x1] =	wrdreg $0xFFFFFFFF  }
0xab: {  	[dreg:$0x0] =	wrdreg $0x60  }
0xac: {  	[dreg:$0x2] =	wrdreg s0  }
0xad: {  	[dreg:$0x3] =	wrdreg s22  }
0xae: {  	[dreg:$0x4] =	wrdreg s16  }
0xaf: {  	[dreg:$0x5] =	wrdreg $0x98800  }
0xb0: {  	[dreg:$0x6] =	wrdreg $0xA0800  }
0xb1: {  	[dreg:$0x7] =	wrdreg $0x9  }
0xb2: {  	_ =	task.clear_ibuf [dreg:s6], $0x8FFFF;
	_ =	strace $0x90000046  }
0xb3: {  	s26 =	simm.s32 $0x9;
	_ =	strace $0x80000048  }
0xb4: {  	_ =	swait.ge [sflag:s26], $0x1  }
0xb5: {  	[sflag:s26] =	ssyncadd.s32 $0xFFFFFFFF  }
0xb6: {  	_ =	strace $0x90000048  }
0xb7: {  	_ =	sfence  }
0xb8: {  	s28 =	sld [smem:$0x0];
	_ =	sdelay $0x1  }
0xb9: {  	s29 =	srdreg.scid  }
0xba: {  	s30 =	sshll.u32 s29, $0xD;
	s31 =	sshrl.u32 s29, $0x2  }
0xbb: {  	s1 =	sand.u32 $0x1, s29;
	s2 =	sand.u32 $0x4000, s30;
	s0 =	sadd.s32 s31, s28  }
0xbc: {  	s1 =	sor.u32 s2, s1;
	s0 =	sshll.u32 s0, $0x11  }
0xbd: {  	s0 =	sor.u32 s0, s1  }
0xbe: {  	s0 =	sadd.s32 $0x8F2B, s0  }
0xbf: {  	[sflag:s0] =	ssyncadd.remote.s32 $0x1  }
0xc0: {  	_ =	sfence.sel $0xFFFF  }
0xc1: {  	[dreg:$0x0] =	wrdreg $0xFFFFFFFF;
	(pc) =	sbr.abs _section_cstart, $3  }
0xc2: {  	[dreg:$0x1] =	wrdreg $0xFFFFFFFF  }
0xc3: {  	_ =	task.clear_ibuf [dreg:s6], $0x2FFFF;
	_ =	strace $0x9FFFFFFF  }
0xc4: {  	(tm) =	ssettm $0x7FFFFFFF  }
0xc5: {  	_ =	shalt  }
tec
execute0_lowered:
.L_overlay_start_1:
0x0: {  	(tag) =	ssettag $0x1  }
0x1: {  	s3 =	rddreg [dreg:$0x0]  }
0x2: {  	s4 =	rddreg [dreg:$0x1]  }
0x3: {  	s2 =	rddreg [dreg:$0x2]  }
0x4: {  	s11 =	rddreg [dreg:$0x3]  }
0x5: {  	s8 =	rddreg [dreg:$0x4]  }
0x6: {  	s0 =	rddreg [dreg:$0x5];
	s5 =	simm.s32 $0x0;
	s1 =	stileid.u32  }
0x7: {  	[smem:$0x7FF] =	sst s5;
	s6 =	sshll.u32 s1, $0x8;
	s7 =	sshll.u32 s1, $0x4  }
0x8: {  	_ =	strace $0x80000047;
	s6 =	sadd.s32 s6, s4;
	s3 =	sadd.s32 s3, s7  }
0x9: {  	[tilespmem:s5], [sflag:$0x1] =	stream.linear.gather [hbm4b:s3+s5], $0x80, $0x38;
	[tilespmem:$0xA880] =	vst v63  }
0xa: {  	s10 =	simm.s32 $0x880;
	s13 =	sadd.s32 $0x2000, s6  }
0xb: {  	[tilespmem:s10], [sflag:$0x1] =	stream.linear.gather [hbm4b:s13+s5], $0x800, $0x38;
	[tilespmem:$0xA880] =	vst v63  }
0xc: {  	s16 =	simm.s32 $0x1080;
	s14 =	sadd.s32 $0x1000, s6;
	s3 =	simm.s32 $0x1  }
0xd: {  	[tilespmem:s16], [sflag:$0x1] =	stream.linear.gather [hbm4b:s14+s5], $0x800, $0x38;
	[tilespmem:$0xA880] =	vst v63  }
0xe: {  	_ =	swait.ge [sflag:s3], $0x80  }
0xf: {  	[sflag:s3] =	ssyncset.done $0x0  }
0x10: {  	s9 =	simm.s32 $0x80;
	s4 =	sadd.s32 $0x3000, s4;
	[sflag:s3] =	ssyncadd.s32 $0xFFFFFF80  }
0x11: {  	[tilespmem:s9], [sflag:$0x2] =	stream.indirect.gather [hbm4b:s4+s9], $0x10, s5, s9, $0xb8;
	[tilespmem:$0xA880] =	vst v63  }
0x12: {  	s4 =	simm.s32 $0x2  }
0x13: {  	_ =	swait.ge [sflag:s4], $0x800  }
0x14: {  	s6 =	sshll.u32 s1, $0xB;
	[sflag:s4] =	ssyncset.done $0x0  }
0x15: {  	s15 =	sadd.s32 s6, s11;
	[sflag:s4] =	ssyncadd.s32 $0xFFFFF800  }
0x16: {  	[spmem:s15] =	stream.linear.scatter [tilespmem:s9], [sflag:$0x2], $0x800, $0x38;
	[tilespmem:$0xA880] =	vst v63  }
0x17: {  	s7 =	sadd.s32 s6, s8;
	s5 =	simm.s32 $0x14  }
0x18: {  	[spmem:s7] =	stream.linear.scatter [tilespmem:s9], [sflag:$0x14], $0x800, $0x38;
	[tilespmem:$0xA880] =	vst v63  }
0x19: {  	_ =	swait.ge [sflag:s5], $0x800  }
0x1a: {  	[sflag:s5] =	ssyncset.done $0x0  }
0x1b: {  	[sflag:s5] =	ssyncadd.s32 $0xFFFFF800  }
0x1c: {  	_ =	swait.ge [sflag:s4], $0x800  }
0x1d: {  	[sflag:s4] =	ssyncset.done $0x0  }
0x1e: {  	[sflag:s4] =	ssyncadd.s32 $0xFFFFF800  }
0x1f: {  	_ =	swait.ge [sflag:s3], $0x800  }
0x20: {  	[sflag:s3] =	ssyncset.done $0x0  }
0x21: {  	[sflag:s3] =	ssyncadd.s32 $0xFFFFF800  }
0x22: {  	_ =	swait.ge [sflag:s3], $0x800  }
0x23: {  	[sflag:s3] =	ssyncset.done $0x0  }
0x24: {  	[sflag:s3] =	ssyncadd.s32 $0xFFFFF800  }
0x25: {  	s24 =	simm.s32 $0x1880;
	[bflag:$0x0] =	sbarrier.arrive $0xFFFF  }
0x26: {  	[tilespmem:s24], [sflag:$0x4] =	stream.indirect.gather [spmem:s11], $0x10, s10, s9, $0xb8;
	[tilespmem:$0xA880] =	vst v63  }
0x27: {  	s17 =	simm.s32 $0x900;
	s25 =	simm.s32 $0x2080  }
0x28: {  	[tilespmem:s25], [sflag:$0x5] =	stream.indirect.gather [spmem:s11], $0x10, s17, s9, $0xb8;
	[tilespmem:$0xA880] =	vst v63  }
0x29: {  	s18 =	simm.s32 $0x980;
	s26 =	simm.s32 $0x2880  }
0x2a: {  	[tilespmem:s26], [sflag:$0x6] =	stream.indirect.gather [spmem:s11], $0x10, s18, s9, $0xb8;
	[tilespmem:$0xA880] =	vst v63  }
0x2b: {  	s19 =	simm.s32 $0xA00;
	s28 =	simm.s32 $0x3080  }
0x2c: {  	[tilespmem:s28], [sflag:$0x7] =	stream.indirect.gather [spmem:s11], $0x10, s19, s9, $0xb8;
	[tilespmem:$0xA880] =	vst v63  }
0x2d: {  	s20 =	simm.s32 $0xA80;
	s23 =	simm.s32 $0x3880  }
0x2e: {  	[tilespmem:s23], [sflag:$0x8] =	stream.indirect.gather [spmem:s11], $0x10, s20, s9, $0xb8;
	[tilespmem:$0xA880] =	vst v63  }
0x2f: {  	s21 =	simm.s32 $0xB00;
	s22 =	simm.s32 $0x4080  }
0x30: {  	[tilespmem:s22], [sflag:$0x9] =	stream.indirect.gather [spmem:s11], $0x10, s21, s9, $0xb8;
	[tilespmem:$0xA880] =	vst v63  }
0x31: {  	s29 =	simm.s32 $0xB80;
	s21 =	simm.s32 $0x4880  }
0x32: {  	[tilespmem:s21], [sflag:$0xA] =	stream.indirect.gather [spmem:s11], $0x10, s29, s9, $0xb8;
	[tilespmem:$0xA880] =	vst v63  }
0x33: {  	s30 =	simm.s32 $0xC00;
	s20 =	simm.s32 $0x5080  }
0x34: {  	[tilespmem:s20], [sflag:$0xB] =	stream.indirect.gather [spmem:s11], $0x10, s30, s9, $0xb8;
	[tilespmem:$0xA880] =	vst v63  }
0x35: {  	s31 =	simm.s32 $0xC80;
	s19 =	simm.s32 $0x5880  }
0x36: {  	[tilespmem:s19], [sflag:$0xC] =	stream.indirect.gather [spmem:s11], $0x10, s31, s9, $0xb8;
	[tilespmem:$0xA880] =	vst v63  }
0x37: {  	s12 =	simm.s32 $0xD00;
	s18 =	simm.s32 $0x6080  }
0x38: {  	[tilespmem:s18], [sflag:$0xD] =	stream.indirect.gather [spmem:s11], $0x10, s12, s9, $0xb8;
	[tilespmem:$0xA880] =	vst v63  }
0x39: {  	s13 =	simm.s32 $0xD80;
	s17 =	simm.s32 $0x6880  }
0x3a: {  	[tilespmem:s17], [sflag:$0xE] =	stream.indirect.gather [spmem:s11], $0x10, s13, s9, $0xb8;
	[tilespmem:$0xA880] =	vst v63  }
0x3b: {  	s14 =	simm.s32 $0xE00;
	s15 =	simm.s32 $0x7080  }
0x3c: {  	[tilespmem:s15], [sflag:$0xF] =	stream.indirect.gather [spmem:s11], $0x10, s14, s9, $0xb8;
	[tilespmem:$0xA880] =	vst v63  }
0x3d: {  	s29 =	simm.s32 $0xE80;
	s14 =	simm.s32 $0x7880  }
0x3e: {  	[tilespmem:s14], [sflag:$0x10] =	stream.indirect.gather [spmem:s11], $0x10, s29, s9, $0xb8;
	[tilespmem:$0xA880] =	vst v63  }
0x3f: {  	s30 =	simm.s32 $0xF00;
	s13 =	simm.s32 $0x8080  }
0x40: {  	[tilespmem:s13], [sflag:$0x11] =	stream.indirect.gather [spmem:s11], $0x10, s30, s9, $0xb8;
	[tilespmem:$0xA880] =	vst v63  }
0x41: {  	s31 =	simm.s32 $0xF80;
	s12 =	simm.s32 $0x8880  }
0x42: {  	[tilespmem:s12], [sflag:$0x12] =	stream.indirect.gather [spmem:s11], $0x10, s31, s9, $0xb8;
	[tilespmem:$0xA880] =	vst v63  }
0x43: {  	s10 =	simm.s32 $0x9080;
	s29 =	simm.s32 $0x1000  }
0x44: {  	[tilespmem:s10], [sflag:$0x13] =	stream.indirect.gather [spmem:s11], $0x10, s29, s9, $0xb8;
	[tilespmem:$0xA880] =	vst v63  }
0x45: {  	s29 =	simm.s32 $0x4  }
0x46: {  	_ =	swait.ge [sflag:s29], $0x800  }
0x47: {  	[sflag:s29] =	ssyncset.done $0x0  }
0x48: {  	s30 =	simm.s32 $0x5;
	[sflag:s29] =	ssyncadd.s32 $0xFFFFF800  }
0x49: {  	[spmem:s8] =	stream.indirect.scatter.add.f32 [tilespmem:s24], [sflag:$0x3], $0x10, s16, s9, $0xb8;
	[tilespmem:$0xA880] =	vst v63  }
0x4a: {  	_ =	swait.ge [sflag:s30], $0x800  }
0x4b: {  	[sflag:s30] =	ssyncset.done $0x0  }
0x4c: {  	s31 =	simm.s32 $0x1100;
	s16 =	simm.s32 $0x6;
	[sflag:s30] =	ssyncadd.s32 $0xFFFFF800  }
0x4d: {  	[spmem:s8] =	stream.indirect.scatter.add.f32 [tilespmem:s25], [sflag:$0x3], $0x10, s31, s9, $0xb8;
	[tilespmem:$0xA880] =	vst v63  }
0x4e: {  	_ =	swait.ge [sflag:s16], $0x800  }
0x4f: {  	[sflag:s16] =	ssyncset.done $0x0  }
0x50: {  	s24 =	simm.s32 $0x1180;
	s25 =	simm.s32 $0x7;
	[sflag:s16] =	ssyncadd.s32 $0xFFFFF800  }
0x51: {  	[spmem:s8] =	stream.indirect.scatter.add.f32 [tilespmem:s26], [sflag:$0x3], $0x10, s24, s9, $0xb8;
	[tilespmem:$0xA880] =	vst v63  }
0x52: {  	_ =	swait.ge [sflag:s25], $0x800  }
0x53: {  	[sflag:s25] =	ssyncset.done $0x0  }
0x54: {  	s29 =	simm.s32 $0x8;
	s26 =	simm.s32 $0x1200;
	[sflag:s25] =	ssyncadd.s32 $0xFFFFF800  }
0x55: {  	[spmem:s8] =	stream.indirect.scatter.add.f32 [tilespmem:s28], [sflag:$0x3], $0x10, s26, s9, $0xb8;
	[tilespmem:$0xA880] =	vst v63  }
0x56: {  	_ =	swait.ge [sflag:s29], $0x800  }
0x57: {  	[sflag:s29] =	ssyncset.done $0x0  }
0x58: {  	s30 =	simm.s32 $0x1280;
	s31 =	simm.s32 $0x9;
	[sflag:s29] =	ssyncadd.s32 $0xFFFFF800  }
0x59: {  	[spmem:s8] =	stream.indirect.scatter.add.f32 [tilespmem:s23], [sflag:$0x3], $0x10, s30, s9, $0xb8;
	[tilespmem:$0xA880] =	vst v63  }
0x5a: {  	_ =	swait.ge [sflag:s31], $0x800  }
0x5b: {  	[sflag:s31] =	ssyncset.done $0x0  }
0x5c: {  	s16 =	simm.s32 $0x1300;
	s23 =	simm.s32 $0xA;
	[sflag:s31] =	ssyncadd.s32 $0xFFFFF800  }
0x5d: {  	[spmem:s8] =	stream.indirect.scatter.add.f32 [tilespmem:s22], [sflag:$0x3], $0x10, s16, s9, $0xb8;
	[tilespmem:$0xA880] =	vst v63  }
0x5e: {  	_ =	swait.ge [sflag:s23], $0x800  }
0x5f: {  	[sflag:s23] =	ssyncset.done $0x0  }
0x60: {  	s24 =	simm.s32 $0x1380;
	s25 =	simm.s32 $0xB;
	[sflag:s23] =	ssyncadd.s32 $0xFFFFF800  }
0x61: {  	[spmem:s8] =	stream.indirect.scatter.add.f32 [tilespmem:s21], [sflag:$0x3], $0x10, s24, s9, $0xb8;
	[tilespmem:$0xA880] =	vst v63  }
0x62: {  	_ =	swait.ge [sflag:s25], $0x800  }
0x63: {  	[sflag:s25] =	ssyncset.done $0x0  }
0x64: {  	s26 =	simm.s32 $0x1400;
	s28 =	simm.s32 $0xC;
	[sflag:s25] =	ssyncadd.s32 $0xFFFFF800  }
0x65: {  	[spmem:s8] =	stream.indirect.scatter.add.f32 [tilespmem:s20], [sflag:$0x3], $0x10, s26, s9, $0xb8;
	[tilespmem:$0xA880] =	vst v63  }
0x66: {  	_ =	swait.ge [sflag:s28], $0x800  }
0x67: {  	[sflag:s28] =	ssyncset.done $0x0  }
0x68: {  	s29 =	simm.s32 $0x1480;
	s30 =	simm.s32 $0xD;
	[sflag:s28] =	ssyncadd.s32 $0xFFFFF800  }
0x69: {  	[spmem:s8] =	stream.indirect.scatter.add.f32 [tilespmem:s19], [sflag:$0x3], $0x10, s29, s9, $0xb8;
	[tilespmem:$0xA880] =	vst v63  }
0x6a: {  	_ =	swait.ge [sflag:s30], $0x800  }
0x6b: {  	[sflag:s30] =	ssyncset.done $0x0  }
0x6c: {  	s31 =	simm.s32 $0x1500;
	s16 =	simm.s32 $0xE;
	[sflag:s30] =	ssyncadd.s32 $0xFFFFF800  }
0x6d: {  	[spmem:s8] =	stream.indirect.scatter.add.f32 [tilespmem:s18], [sflag:$0x3], $0x10, s31, s9, $0xb8;
	[tilespmem:$0xA880] =	vst v63  }
0x6e: {  	_ =	swait.ge [sflag:s16], $0x800  }
0x6f: {  	[sflag:s16] =	ssyncset.done $0x0  }
0x70: {  	s19 =	simm.s32 $0xF;
	s18 =	simm.s32 $0x1580;
	[sflag:s16] =	ssyncadd.s32 $0xFFFFF800  }
0x71: {  	[spmem:s8] =	stream.indirect.scatter.add.f32 [tilespmem:s17], [sflag:$0x3], $0x10, s18, s9, $0xb8;
	[tilespmem:$0xA880] =	vst v63  }
0x72: {  	_ =	swait.ge [sflag:s19], $0x800  }
0x73: {  	[sflag:s19] =	ssyncset.done $0x0  }
0x74: {  	s21 =	simm.s32 $0x10;
	s20 =	simm.s32 $0x1600;
	[sflag:s19] =	ssyncadd.s32 $0xFFFFF800  }
0x75: {  	[spmem:s8] =	stream.indirect.scatter.add.f32 [tilespmem:s15], [sflag:$0x3], $0x10, s20, s9, $0xb8;
	[tilespmem:$0xA880] =	vst v63  }
0x76: {  	_ =	swait.ge [sflag:s21], $0x800  }
0x77: {  	[sflag:s21] =	ssyncset.done $0x0  }
0x78: {  	s22 =	simm.s32 $0x1680;
	s23 =	simm.s32 $0x11;
	[sflag:s21] =	ssyncadd.s32 $0xFFFFF800  }
0x79: {  	[spmem:s8] =	stream.indirect.scatter.add.f32 [tilespmem:s14], [sflag:$0x3], $0x10, s22, s9, $0xb8;
	[tilespmem:$0xA880] =	vst v63  }
0x7a: {  	_ =	swait.ge [sflag:s23], $0x800  }
0x7b: {  	[sflag:s23] =	ssyncset.done $0x0  }
0x7c: {  	s24 =	simm.s32 $0x1700;
	s25 =	simm.s32 $0x12;
	[sflag:s23] =	ssyncadd.s32 $0xFFFFF800  }
0x7d: {  	[spmem:s8] =	stream.indirect.scatter.add.f32 [tilespmem:s13], [sflag:$0x3], $0x10, s24, s9, $0xb8;
	[tilespmem:$0xA880] =	vst v63  }
0x7e: {  	_ =	swait.ge [sflag:s25], $0x800  }
0x7f: {  	[sflag:s25] =	ssyncset.done $0x0  }
0x80: {  	s26 =	simm.s32 $0x1780;
	s28 =	simm.s32 $0x13;
	[sflag:s25] =	ssyncadd.s32 $0xFFFFF800  }
0x81: {  	[spmem:s8] =	stream.indirect.scatter.add.f32 [tilespmem:s12], [sflag:$0x3], $0x10, s26, s9, $0xb8;
	[tilespmem:$0xA880] =	vst v63  }
0x82: {  	_ =	swait.ge [sflag:s28], $0x800  }
0x83: {  	[sflag:s28] =	ssyncset.done $0x0  }
0x84: {  	s29 =	simm.s32 $0x1800;
	s30 =	simm.s32 $0x3;
	[sflag:s28] =	ssyncadd.s32 $0xFFFFF800  }
0x85: {  	[spmem:s8] =	stream.indirect.scatter.add.f32 [tilespmem:s10], [sflag:$0x3], $0x10, s29, s9, $0xb8;
	[tilespmem:$0xA880] =	vst v63  }
0x86: {  	_ =	swait.ge [sflag:s30], $0x800  }
0x87: {  	[sflag:s30] =	ssyncset.done $0x0  }
0x88: {  	[sflag:s30] =	ssyncadd.s32 $0xFFFFF800  }
0x89: {  	_ =	swait.ge [sflag:s30], $0x800  }
0x8a: {  	[sflag:s30] =	ssyncset.done $0x0  }
0x8b: {  	[sflag:s30] =	ssyncadd.s32 $0xFFFFF800  }
0x8c: {  	_ =	swait.ge [sflag:s30], $0x800  }
0x8d: {  	[sflag:s30] =	ssyncset.done $0x0  }
0x8e: {  	[sflag:s30] =	ssyncadd.s32 $0xFFFFF800  }
0x8f: {  	_ =	swait.ge [sflag:s30], $0x800  }
0x90: {  	[sflag:s30] =	ssyncset.done $0x0  }
0x91: {  	[sflag:s30] =	ssyncadd.s32 $0xFFFFF800  }
0x92: {  	_ =	swait.ge [sflag:s30], $0x800  }
0x93: {  	[sflag:s30] =	ssyncset.done $0x0  }
0x94: {  	[sflag:s30] =	ssyncadd.s32 $0xFFFFF800  }
0x95: {  	_ =	swait.ge [sflag:s30], $0x800  }
0x96: {  	[sflag:s30] =	ssyncset.done $0x0  }
0x97: {  	[sflag:s30] =	ssyncadd.s32 $0xFFFFF800  }
0x98: {  	_ =	swait.ge [sflag:s30], $0x800  }
0x99: {  	[sflag:s30] =	ssyncset.done $0x0  }
0x9a: {  	[sflag:s30] =	ssyncadd.s32 $0xFFFFF800  }
0x9b: {  	_ =	swait.ge [sflag:s30], $0x800  }
0x9c: {  	[sflag:s30] =	ssyncset.done $0x0  }
0x9d: {  	[sflag:s30] =	ssyncadd.s32 $0xFFFFF800  }
0x9e: {  	_ =	swait.ge [sflag:s30], $0x800  }
0x9f: {  	[sflag:s30] =	ssyncset.done $0x0  }
0xa0: {  	[sflag:s30] =	ssyncadd.s32 $0xFFFFF800  }
0xa1: {  	_ =	swait.ge [sflag:s30], $0x800  }
0xa2: {  	[sflag:s30] =	ssyncset.done $0x0  }
0xa3: {  	[sflag:s30] =	ssyncadd.s32 $0xFFFFF800  }
0xa4: {  	_ =	swait.ge [sflag:s30], $0x800  }
0xa5: {  	[sflag:s30] =	ssyncset.done $0x0  }
0xa6: {  	[sflag:s30] =	ssyncadd.s32 $0xFFFFF800  }
0xa7: {  	_ =	swait.ge [sflag:s30], $0x800  }
0xa8: {  	[sflag:s30] =	ssyncset.done $0x0  }
0xa9: {  	[sflag:s30] =	ssyncadd.s32 $0xFFFFF800  }
0xaa: {  	_ =	swait.ge [sflag:s30], $0x800  }
0xab: {  	[sflag:s30] =	ssyncset.done $0x0  }
0xac: {  	[sflag:s30] =	ssyncadd.s32 $0xFFFFF800  }
0xad: {  	_ =	swait.ge [sflag:s30], $0x800  }
0xae: {  	[sflag:s30] =	ssyncset.done $0x0  }
0xaf: {  	[sflag:s30] =	ssyncadd.s32 $0xFFFFF800  }
0xb0: {  	_ =	swait.ge [sflag:s30], $0x800  }
0xb1: {  	[sflag:s30] =	ssyncset.done $0x0  }
0xb2: {  	[sflag:s30] =	ssyncadd.s32 $0xFFFFF800  }
0xb3: {  	_ =	swait.ge [sflag:s30], $0x800  }
0xb4: {  	[sflag:s30] =	ssyncset.done $0x0  }
0xb5: {  	s2 =	sadd.s32 s2, s6;
	s31 =	sshll.u32 s1, $0x6;
	[sflag:s30] =	ssyncadd.s32 $0xFFFFF800  }
0xb6: {  	s7 =	sshrl.u32 s7, $0x3;
	s6 =	sor.u32 $0x1C14, s31;
	[bflag:$0x0] =	sbarrier.arrive $0xFFFF  }
0xb7: {  	[hbm:s2@s21], [sflag:s6] =	dma.strided [spmem:s7@s4], $0x100, s3, $0x2   }
0xb8: {  	_ =	swait.ge [sflag:s5], $0x100  }
0xb9: {  	[sflag:s5] =	ssyncset.done $0x0  }
0xba: {  	[sflag:s5] =	ssyncadd.s32 $0xFFFFFF00  }
0xbb: {  	_ =	sfence.sel $0x180000  }
0xbc: {  	[bflag:$0x0] =	sbarrier.arrive $0xFFFF  }
0xbd: {  	p0 =	sne.s32 s1, $0x0;
	_ =	strace $0x90000047  }
0xbe: {  	s0 =	sadd.s32 @!p0 $0x100000, s0;
	[bflag:$0x2] =	sbarrier.arrive $0xFFFF  }
0xbf: {  	[sflag:s0] =	ssyncadd.tile.s32 @!p0 $0x1;
	_ =	shalt  }
.Lfunc_end2:
_tile_overlayer_lowered:
.L_overlay_start_2:
0xc0: {  	(tag) =	ssettag $0x2  }
0xc1: {  	s0 =	rddreg [dreg:$0x0];
	s2 =	stileid.u32  }
0xc2: {  	s1 =	rddreg [dreg:$0x1];
	p0 =	sne.s32 s2, $0x0  }
0xc3: {  	s3 =	rddreg [dreg:$0x2];
	[bflag:$0x3] =	sbarrier.arrive $0xFFFF;
	s2 =	simm.s32 @!p0 $0x1C14  }
0xc4: {  	[timem:s3], [sflag:s2] =	dma.local @!p0 [hbm:s0], s1  }
0xc5: {  	s0 =	simm.s32 @!p0 $0x14  }
0xc6: {  	_ =	swait.ge @!p0 [sflag:s0], s1  }
0xc7: {  	s1 =	ssub.s32 @!p0 $0x0, s1;
	[sflag:s0] =	ssyncset.done @!p0 $0x0  }
0xc8: {  	[sflag:s0] =	ssyncadd.s32 @!p0 s1  }
0xc9: {  	[bflag:$0x3] =	sbarrier.arrive $0xFFFF  }
0xca: {  	_ =	shalt  }

</sc_bundles>
